<compile_context>
chip_gen: v7x
topology: tpu7x:2x2x1
jax: 0.10.2.dev20260603
libtpu: 0.0.44.dev20260713+nightly
codegen_flags: <defaults>
</compile_context>

<pallas_src>
import functools

import jax
import jax.numpy as jnp
from jax import lax
from jax.experimental import pallas as pl
from jax.experimental.pallas import tpu as pltpu
from jax.experimental.pallas import tpu_sc as plsc

N_IN_ROWS = 50000
N_OUT_ROWS = 400000
FEAT = 128

NUM_CORES = 2
NUM_SUBCORES = 16
NUM_WORKERS = NUM_CORES * NUM_SUBCORES

CHUNK = 128
NUM_CHUNKS = N_OUT_ROWS // CHUNK
STEPS = 98
ROWS_PER_WORKER = STEPS * CHUNK
MAIN_ROWS = 87 * CHUNK
WRAP_ROWS = ROWS_PER_WORKER - MAIN_ROWS
NBUF = 7
DEPTH = 2


def _gather_body(table_hbm, idx_hbm, out_hbm, idx_v, rowbufs, isem, gsems, wsems):
    wid = lax.axis_index("s") * NUM_CORES + lax.axis_index("c")
    base = wid * ROWS_PER_WORKER

    def chunk_row0(k):
        c = wid * STEPS + k
        c = jnp.where(c < NUM_CHUNKS, c, c - NUM_CHUNKS)
        return c * CHUNK

    wrap_base = jnp.where(base + ROWS_PER_WORKER <= N_OUT_ROWS, base + MAIN_ROWS, 0)

    def main_idx_copy():
        return pltpu.make_async_copy(
            idx_hbm.at[pl.ds(base, MAIN_ROWS)], idx_v.at[pl.ds(0, MAIN_ROWS)], isem
        )

    def wrap_idx_copy():
        return pltpu.make_async_copy(
            idx_hbm.at[pl.ds(wrap_base, WRAP_ROWS)],
            idx_v.at[pl.ds(MAIN_ROWS, WRAP_ROWS)],
            isem,
        )

    main_idx_copy().start()
    wrap_idx_copy().start()
    main_idx_copy().wait()
    wrap_idx_copy().wait()

    def gather_copy(k, b):
        return pltpu.make_async_copy(
            table_hbm.at[idx_v.at[pl.ds(k * CHUNK, CHUNK)]], rowbufs[b], gsems[b]
        )

    def wb_copy(k, b):
        return pltpu.make_async_copy(
            rowbufs[b], out_hbm.at[pl.ds(chunk_row0(k), CHUNK)], wsems[b]
        )

    def step(k_static_b, g):
        b = k_static_b
        k = g * NBUF + b

        @pl.when(g >= 1)
        def _wait_buf_free():
            wb_copy(0, b).wait()

        gather_copy(k, b).start()

        b2 = (b - DEPTH) % NBUF
        p = k - DEPTH

        def _writeback():
            gather_copy(0, b2).wait()
            wb_copy(p, b2).start()

        if b >= DEPTH:
            _writeback()
        else:
            pl.when(g >= 1)(_writeback)

    def ring_pass(g, _):
        for b in range(NBUF):
            step(b, g)
        return 0

    lax.fori_loop(0, STEPS // NBUF, ring_pass, 0)

    for p in range(STEPS - DEPTH, STEPS):
        pb = p % NBUF
        gather_copy(0, pb).wait()
        wb_copy(p, pb).start()
    for b in range(NBUF):
        wb_copy(0, b).wait()


@jax.jit
def _unpool_gather(table, idx):
    mesh = plsc.VectorSubcoreMesh(core_axis_name="c", subcore_axis_name="s")
    run = functools.partial(
        pl.kernel,
        mesh=mesh,
        out_type=jax.ShapeDtypeStruct((N_OUT_ROWS, FEAT), jnp.float32),
        scratch_types=[
            pltpu.VMEM((ROWS_PER_WORKER,), jnp.int32),
            [pltpu.VMEM((CHUNK, FEAT), jnp.float32) for _ in range(NBUF)],
            pltpu.SemaphoreType.DMA,
            [pltpu.SemaphoreType.DMA for _ in range(NBUF)],
            [pltpu.SemaphoreType.DMA for _ in range(NBUF)],
        ],
    )(_gather_body)
    return run(table, idx)


def kernel(input_features, unpool_map):
    return _unpool_gather(input_features, unpool_map.astype(jnp.int32))

# --- scband reference (transcript-rebuilt; emitter-appended) ---
"""Pipeline reference for scband-un-pooling-28338194219427 (READ-ONLY COPY).

The authoritative reference and input builder live on the scoring server;
editing this copy changes nothing except your own understanding.
"""

import jax, jax.numpy as jnp
import numpy as np

N_IN = 50000
N_OUT = 400000
C = 128
NFEATURES_TO_DROP = 0

def setup_inputs(seed: int = 0) -> dict:
    key = jax.random.key(seed)
    k1, k2 = jax.random.split(key)
    input_features = jax.random.normal(k1, (N_IN, C), dtype=jnp.float32)
    # unpool_map[i] = index of the pooled input site that output active site i
    # was pooled from (the SCN metadata rule book, flattened). Each pooled site
    # fans out to ~pool_size^dimension = 8 finer active sites.
    unpool_map = jax.random.randint(k2, (N_OUT,), 0, N_IN, dtype=jnp.int64)
    return {"input_features": input_features, "unpool_map": unpool_map}

def reference(input_features, unpool_map):
    # SCN UnPooling_updateOutput: for each output active site, copy the feature
    # row of its source pooled input site (after dropping nFeaturesToDrop cols).
    feats = input_features[:, NFEATURES_TO_DROP:]
    output_features = jnp.take(feats, unpool_map, axis=0)
    return output_features

if __name__ == "__main__":
    import jax
    _d = setup_inputs()
    print(jax.jit(kernel)(*tuple(_d.values())))

</pallas_src>

<mosaic_0001>
#map = affine_map<(d0, d1) -> (0, 0)>
#map1 = affine_map<(d0, d1) -> (0)>
module attributes {stable_mosaic.version = 14 : i64} {
  func.func @_gather_body(%arg0: i32, %arg1: i32, %arg2: memref<50000x128xf32, #tpu.memory_space<hbm>>, %arg3: memref<400000xi32, #tpu.memory_space<hbm>>, %arg4: memref<400000x128xf32, #tpu.memory_space<hbm>>, %arg5: memref<12544xi32, #tpu.memory_space<vmem>>, %arg6: memref<128x128xf32, #tpu.memory_space<vmem>>, %arg7: memref<128x128xf32, #tpu.memory_space<vmem>>, %arg8: memref<128x128xf32, #tpu.memory_space<vmem>>, %arg9: memref<128x128xf32, #tpu.memory_space<vmem>>, %arg10: memref<128x128xf32, #tpu.memory_space<vmem>>, %arg11: memref<128x128xf32, #tpu.memory_space<vmem>>, %arg12: memref<128x128xf32, #tpu.memory_space<vmem>>, %arg13: memref<!tpu.dma_semaphore, #tpu.memory_space<semaphore_mem>>, %arg14: memref<!tpu.dma_semaphore, #tpu.memory_space<semaphore_mem>>, %arg15: memref<!tpu.dma_semaphore, #tpu.memory_space<semaphore_mem>>, %arg16: memref<!tpu.dma_semaphore, #tpu.memory_space<semaphore_mem>>, %arg17: memref<!tpu.dma_semaphore, #tpu.memory_space<semaphore_mem>>, %arg18: memref<!tpu.dma_semaphore, #tpu.memory_space<semaphore_mem>>, %arg19: memref<!tpu.dma_semaphore, #tpu.memory_space<semaphore_mem>>, %arg20: memref<!tpu.dma_semaphore, #tpu.memory_space<semaphore_mem>>, %arg21: memref<!tpu.dma_semaphore, #tpu.memory_space<semaphore_mem>>, %arg22: memref<!tpu.dma_semaphore, #tpu.memory_space<semaphore_mem>>, %arg23: memref<!tpu.dma_semaphore, #tpu.memory_space<semaphore_mem>>, %arg24: memref<!tpu.dma_semaphore, #tpu.memory_space<semaphore_mem>>, %arg25: memref<!tpu.dma_semaphore, #tpu.memory_space<semaphore_mem>>, %arg26: memref<!tpu.dma_semaphore, #tpu.memory_space<semaphore_mem>>, %arg27: memref<!tpu.dma_semaphore, #tpu.memory_space<semaphore_mem>>) attributes {dimension_semantics = [#tpu.dimension_semantics<core_parallel>, #tpu.dimension_semantics<subcore_parallel>], iteration_bounds = array<i64: 2, 16>, scalar_prefetch = 0 : i64, scratch_operands = 23 : i64, tpu.core_type = #tpu.core_type<sc_vector_subcore>, window_params = [{transform_indices = #map}, {transform_indices = #map1}, {transform_indices = #map}]} {
    %mul3A = arith.constant 2 : i32
    %mul3A_0 = arith.muli %arg1, %mul3A : i32
    %add3A = arith.addi %mul3A_0, %arg0 : i32
    %mul3A_1 = arith.constant 12544 : i32
    %mul3A_2 = arith.muli %add3A, %mul3A_1 : i32
    %add3A_3 = arith.constant 12544 : i32
    %add3A_4 = arith.addi %mul3A_2, %add3A_3 : i32
    %le3A = arith.constant 400000 : i32
    %le3A_5 = arith.cmpi sle, %add3A_4, %le3A : i32
    %add3A_6 = arith.constant 11136 : i32
    %add3A_7 = arith.addi %mul3A_2, %add3A_6 : i32
    %jit3A = arith.constant 0 : i32
    %select_n3A = arith.select %le3A_5, %add3A_7, %jit3A : i32
    %dma_start3A = arith.constant 0 : i32
    %dma_start3A_8 = tpu.memref_slice %arg5[%dma_start3A] : memref<12544xi32, #tpu.memory_space<vmem>> -> memref<11136xi32, #tpu.memory_space<vmem>>
    %dma_start3A_9 = tpu.memref_slice %arg3[%mul3A_2] : memref<400000xi32, #tpu.memory_space<hbm>> -> memref<11136xi32, #tpu.memory_space<hbm>>
    %dma_start3A_10 = arith.constant 0 : i32
    %dma_start3A_11 = tpu.memref_slice %arg5[%dma_start3A_10] : memref<12544xi32, #tpu.memory_space<vmem>> -> memref<11136xi32, #tpu.memory_space<vmem>>
    %dma_start3A_12 = tpu.memref_slice %arg3[%mul3A_2] : memref<400000xi32, #tpu.memory_space<hbm>> -> memref<11136xi32, #tpu.memory_space<hbm>>
    tpu.enqueue_dma source(%dma_start3A_12 : memref<11136xi32, #tpu.memory_space<hbm>>) target(%dma_start3A_11 : memref<11136xi32, #tpu.memory_space<vmem>>) target_semaphore(%arg13 : memref<!tpu.dma_semaphore, #tpu.memory_space<semaphore_mem>>)
    %dma_start3A_13 = arith.constant 11136 : i32
    %dma_start3A_14 = tpu.memref_slice %arg5[%dma_start3A_13] : memref<12544xi32, #tpu.memory_space<vmem>> -> memref<1408xi32, #tpu.memory_space<vmem>>
    %dma_start3A_15 = tpu.memref_slice %arg3[%select_n3A] : memref<400000xi32, #tpu.memory_space<hbm>> -> memref<1408xi32, #tpu.memory_space<hbm>>
    %dma_start3A_16 = arith.constant 11136 : i32
    %dma_start3A_17 = tpu.memref_slice %arg5[%dma_start3A_16] : memref<12544xi32, #tpu.memory_space<vmem>> -> memref<1408xi32, #tpu.memory_space<vmem>>
    %dma_start3A_18 = tpu.memref_slice %arg3[%select_n3A] : memref<400000xi32, #tpu.memory_space<hbm>> -> memref<1408xi32, #tpu.memory_space<hbm>>
    tpu.enqueue_dma source(%dma_start3A_18 : memref<1408xi32, #tpu.memory_space<hbm>>) target(%dma_start3A_17 : memref<1408xi32, #tpu.memory_space<vmem>>) target_semaphore(%arg13 : memref<!tpu.dma_semaphore, #tpu.memory_space<semaphore_mem>>)
    %dma_wait3A = arith.constant 0 : i32
    %dma_wait3A_19 = tpu.memref_slice %arg5[%dma_wait3A] : memref<12544xi32, #tpu.memory_space<vmem>> -> memref<11136xi32, #tpu.memory_space<vmem>>
    %dma_wait3A_20 = tpu.memref_slice %arg3[%mul3A_2] : memref<400000xi32, #tpu.memory_space<hbm>> -> memref<11136xi32, #tpu.memory_space<hbm>>
    %dma_wait3A_21 = arith.constant 0 : i32
    %dma_wait3A_22 = tpu.memref_slice %arg5[%dma_wait3A_21] : memref<12544xi32, #tpu.memory_space<vmem>> -> memref<11136xi32, #tpu.memory_space<vmem>>
    %dma_wait3A_23 = tpu.memref_slice %arg3[%mul3A_2] : memref<400000xi32, #tpu.memory_space<hbm>> -> memref<11136xi32, #tpu.memory_space<hbm>>
    tpu.wait_dma2 semaphore(%arg13 : memref<!tpu.dma_semaphore, #tpu.memory_space<semaphore_mem>>) src(%dma_wait3A_23 : memref<11136xi32, #tpu.memory_space<hbm>>) dst(%dma_wait3A_22 : memref<11136xi32, #tpu.memory_space<vmem>>)
    %dma_wait3A_24 = arith.constant 11136 : i32
    %dma_wait3A_25 = tpu.memref_slice %arg5[%dma_wait3A_24] : memref<12544xi32, #tpu.memory_space<vmem>> -> memref<1408xi32, #tpu.memory_space<vmem>>
    %dma_wait3A_26 = tpu.memref_slice %arg3[%select_n3A] : memref<400000xi32, #tpu.memory_space<hbm>> -> memref<1408xi32, #tpu.memory_space<hbm>>
    %dma_wait3A_27 = arith.constant 11136 : i32
    %dma_wait3A_28 = tpu.memref_slice %arg5[%dma_wait3A_27] : memref<12544xi32, #tpu.memory_space<vmem>> -> memref<1408xi32, #tpu.memory_space<vmem>>
    %dma_wait3A_29 = tpu.memref_slice %arg3[%select_n3A] : memref<400000xi32, #tpu.memory_space<hbm>> -> memref<1408xi32, #tpu.memory_space<hbm>>
    tpu.wait_dma2 semaphore(%arg13 : memref<!tpu.dma_semaphore, #tpu.memory_space<semaphore_mem>>) src(%dma_wait3A_29 : memref<1408xi32, #tpu.memory_space<hbm>>) dst(%dma_wait3A_28 : memref<1408xi32, #tpu.memory_space<vmem>>)
    %scan3A = arith.constant 0 : i32
    %scan3A_30 = arith.constant 0 : i32
    %scan3A_31 = arith.constant 14 : i32
    %scan3A_32 = arith.addi %scan3A_30, %scan3A_31 : i32
    %scan3A_33 = arith.constant 1 : i32
    %scan3A_34 = scf.for %scan3A_179 = %scan3A_30 to %scan3A_32 step %scan3A_33 iter_args(%scan3A_180 = %scan3A) -> (i32)  : i32 {
      %mul3A_181 = arith.constant 7 : i32
      %mul3A_182 = arith.muli %scan3A_179, %mul3A_181 : i32
      %add3A_183 = arith.constant 0 : i32
      %add3A_184 = arith.addi %mul3A_182, %add3A_183 : i32
      %ge3A = arith.constant 1 : i32
      %ge3A_185 = arith.cmpi sge, %scan3A_179, %ge3A : i32
      %convert_element_type3A = arith.extui %ge3A_185 : i1 to i32
      %cond3A = arith.constant 0 : i32
      %cond3A_186 = arith.cmpi ne, %convert_element_type3A, %cond3A : i32
      scf.if %cond3A_186 {
        %mul3A_403 = arith.constant 98 : i32
        %mul3A_404 = arith.muli %add3A, %mul3A_403 : i32
        %add3A_405 = arith.constant 0 : i32
        %add3A_406 = arith.addi %mul3A_404, %add3A_405 : i32
        %lt3A_407 = arith.constant 3125 : i32
        %lt3A_408 = arith.cmpi slt, %add3A_406, %lt3A_407 : i32
        %sub3A_409 = arith.constant 3125 : i32
        %sub3A_410 = arith.subi %add3A_406, %sub3A_409 : i32
        %select_n3A_411 = arith.select %lt3A_408, %add3A_406, %sub3A_410 : i32
        %mul3A_412 = arith.constant 128 : i32
        %mul3A_413 = arith.muli %select_n3A_411, %mul3A_412 : i32
        %dma_wait3A_414 = arith.constant 0 : i32
        %dma_wait3A_415 = tpu.memref_slice %arg4[%mul3A_413, %dma_wait3A_414] : memref<400000x128xf32, #tpu.memory_space<hbm>> -> memref<128x128xf32, #tpu.memory_space<hbm>>
        %dma_wait3A_416 = arith.constant 0 : i32
        %dma_wait3A_417 = tpu.memref_slice %arg4[%mul3A_413, %dma_wait3A_416] : memref<400000x128xf32, #tpu.memory_space<hbm>> -> memref<128x128xf32, #tpu.memory_space<hbm>>
        tpu.wait_dma2 semaphore(%arg21 : memref<!tpu.dma_semaphore, #tpu.memory_space<semaphore_mem>>) src(%arg6 : memref<128x128xf32, #tpu.memory_space<vmem>>) dst(%dma_wait3A_417 : memref<128x128xf32, #tpu.memory_space<hbm>>)
      } else {
      }
      %mul3A_187 = arith.constant 128 : i32
      %mul3A_188 = arith.muli %add3A_184, %mul3A_187 : i32
      %dma_start3A_189 = tpu.memref_slice %arg5[%mul3A_188] : memref<12544xi32, #tpu.memory_space<vmem>> -> memref<128xi32, #tpu.memory_space<vmem>>
      %dma_start3A_190 = arith.constant 0 : i32
      %dma_start3A_191 = arith.constant 0 : i32
      %dma_start3A_192 = tpu.memref_slice %arg2[%dma_start3A_190, %dma_start3A_191] : memref<50000x128xf32, #tpu.memory_space<hbm>> -> memref<50000x128xf32, #tpu.memory_space<hbm>>
      tpu.enqueue_indirect_dma source(%dma_start3A_192 : memref<50000x128xf32, #tpu.memory_space<hbm>>) target(%arg6 : memref<128x128xf32, #tpu.memory_space<vmem>>) offsets(%dma_start3A_189 : memref<128xi32, #tpu.memory_space<vmem>>) semaphore(%arg14 : memref<!tpu.dma_semaphore, #tpu.memory_space<semaphore_mem>>)
      %sub3A_193 = arith.constant 2 : i32
      %sub3A_194 = arith.subi %add3A_184, %sub3A_193 : i32
      %ge3A_195 = arith.constant 1 : i32
      %ge3A_196 = arith.cmpi sge, %scan3A_179, %ge3A_195 : i32
      %convert_element_type3A_197 = arith.extui %ge3A_196 : i1 to i32
      %cond3A_198 = arith.constant 0 : i32
      %cond3A_199 = arith.cmpi ne, %convert_element_type3A_197, %cond3A_198 : i32
      scf.if %cond3A_199 {
        %dma_wait3A_403 = arith.constant 0 : i32
        %dma_wait3A_404 = tpu.memref_slice %arg5[%dma_wait3A_403] : memref<12544xi32, #tpu.memory_space<vmem>> -> memref<128xi32, #tpu.memory_space<vmem>>
        %dma_wait3A_405 = arith.constant 0 : i32
        %dma_wait3A_406 = arith.constant 0 : i32
        %dma_wait3A_407 = tpu.memref_slice %arg2[%dma_wait3A_405, %dma_wait3A_406] : memref<50000x128xf32, #tpu.memory_space<hbm>> -> memref<50000x128xf32, #tpu.memory_space<hbm>>
        tpu.wait_indirect_dma semaphore(%arg19 : memref<!tpu.dma_semaphore, #tpu.memory_space<semaphore_mem>>) src(%dma_wait3A_407 : memref<50000x128xf32, #tpu.memory_space<hbm>>) dst(%arg11 : memref<128x128xf32, #tpu.memory_space<vmem>>)
        %mul3A_408 = arith.constant 98 : i32
        %mul3A_409 = arith.muli %add3A, %mul3A_408 : i32
        %add3A_410 = arith.addi %mul3A_409, %sub3A_194 : i32
        %lt3A_411 = arith.constant 3125 : i32
        %lt3A_412 = arith.cmpi slt, %add3A_410, %lt3A_411 : i32
        %sub3A_413 = arith.constant 3125 : i32
        %sub3A_414 = arith.subi %add3A_410, %sub3A_413 : i32
        %select_n3A_415 = arith.select %lt3A_412, %add3A_410, %sub3A_414 : i32
        %mul3A_416 = arith.constant 128 : i32
        %mul3A_417 = arith.muli %select_n3A_415, %mul3A_416 : i32
        %dma_start3A_418 = arith.constant 0 : i32
        %dma_start3A_419 = tpu.memref_slice %arg4[%mul3A_417, %dma_start3A_418] : memref<400000x128xf32, #tpu.memory_space<hbm>> -> memref<128x128xf32, #tpu.memory_space<hbm>>
        %dma_start3A_420 = arith.constant 0 : i32
        %dma_start3A_421 = tpu.memref_slice %arg4[%mul3A_417, %dma_start3A_420] : memref<400000x128xf32, #tpu.memory_space<hbm>> -> memref<128x128xf32, #tpu.memory_space<hbm>>
        tpu.enqueue_dma source(%arg11 : memref<128x128xf32, #tpu.memory_space<vmem>>) target(%dma_start3A_421 : memref<128x128xf32, #tpu.memory_space<hbm>>) target_semaphore(%arg26 : memref<!tpu.dma_semaphore, #tpu.memory_space<semaphore_mem>>)
      } else {
      }
      %mul3A_200 = arith.constant 7 : i32
      %mul3A_201 = arith.muli %scan3A_179, %mul3A_200 : i32
      %add3A_202 = arith.constant 1 : i32
      %add3A_203 = arith.addi %mul3A_201, %add3A_202 : i32
      %ge3A_204 = arith.constant 1 : i32
      %ge3A_205 = arith.cmpi sge, %scan3A_179, %ge3A_204 : i32
      %convert_element_type3A_206 = arith.extui %ge3A_205 : i1 to i32
      %cond3A_207 = arith.constant 0 : i32
      %cond3A_208 = arith.cmpi ne, %convert_element_type3A_206, %cond3A_207 : i32
      scf.if %cond3A_208 {
        %mul3A_403 = arith.constant 98 : i32
        %mul3A_404 = arith.muli %add3A, %mul3A_403 : i32
        %add3A_405 = arith.constant 0 : i32
        %add3A_406 = arith.addi %mul3A_404, %add3A_405 : i32
        %lt3A_407 = arith.constant 3125 : i32
        %lt3A_408 = arith.cmpi slt, %add3A_406, %lt3A_407 : i32
        %sub3A_409 = arith.constant 3125 : i32
        %sub3A_410 = arith.subi %add3A_406, %sub3A_409 : i32
        %select_n3A_411 = arith.select %lt3A_408, %add3A_406, %sub3A_410 : i32
        %mul3A_412 = arith.constant 128 : i32
        %mul3A_413 = arith.muli %select_n3A_411, %mul3A_412 : i32
        %dma_wait3A_414 = arith.constant 0 : i32
        %dma_wait3A_415 = tpu.memref_slice %arg4[%mul3A_413, %dma_wait3A_414] : memref<400000x128xf32, #tpu.memory_space<hbm>> -> memref<128x128xf32, #tpu.memory_space<hbm>>
        %dma_wait3A_416 = arith.constant 0 : i32
        %dma_wait3A_417 = tpu.memref_slice %arg4[%mul3A_413, %dma_wait3A_416] : memref<400000x128xf32, #tpu.memory_space<hbm>> -> memref<128x128xf32, #tpu.memory_space<hbm>>
        tpu.wait_dma2 semaphore(%arg22 : memref<!tpu.dma_semaphore, #tpu.memory_space<semaphore_mem>>) src(%arg7 : memref<128x128xf32, #tpu.memory_space<vmem>>) dst(%dma_wait3A_417 : memref<128x128xf32, #tpu.memory_space<hbm>>)
      } else {
      }
      %mul3A_209 = arith.constant 128 : i32
      %mul3A_210 = arith.muli %add3A_203, %mul3A_209 : i32
      %dma_start3A_211 = tpu.memref_slice %arg5[%mul3A_210] : memref<12544xi32, #tpu.memory_space<vmem>> -> memref<128xi32, #tpu.memory_space<vmem>>
      %dma_start3A_212 = arith.constant 0 : i32
      %dma_start3A_213 = arith.constant 0 : i32
      %dma_start3A_214 = tpu.memref_slice %arg2[%dma_start3A_212, %dma_start3A_213] : memref<50000x128xf32, #tpu.memory_space<hbm>> -> memref<50000x128xf32, #tpu.memory_space<hbm>>
      tpu.enqueue_indirect_dma source(%dma_start3A_214 : memref<50000x128xf32, #tpu.memory_space<hbm>>) target(%arg7 : memref<128x128xf32, #tpu.memory_space<vmem>>) offsets(%dma_start3A_211 : memref<128xi32, #tpu.memory_space<vmem>>) semaphore(%arg15 : memref<!tpu.dma_semaphore, #tpu.memory_space<semaphore_mem>>)
      %sub3A_215 = arith.constant 2 : i32
      %sub3A_216 = arith.subi %add3A_203, %sub3A_215 : i32
      %ge3A_217 = arith.constant 1 : i32
      %ge3A_218 = arith.cmpi sge, %scan3A_179, %ge3A_217 : i32
      %convert_element_type3A_219 = arith.extui %ge3A_218 : i1 to i32
      %cond3A_220 = arith.constant 0 : i32
      %cond3A_221 = arith.cmpi ne, %convert_element_type3A_219, %cond3A_220 : i32
      scf.if %cond3A_221 {
        %dma_wait3A_403 = arith.constant 0 : i32
        %dma_wait3A_404 = tpu.memref_slice %arg5[%dma_wait3A_403] : memref<12544xi32, #tpu.memory_space<vmem>> -> memref<128xi32, #tpu.memory_space<vmem>>
        %dma_wait3A_405 = arith.constant 0 : i32
        %dma_wait3A_406 = arith.constant 0 : i32
        %dma_wait3A_407 = tpu.memref_slice %arg2[%dma_wait3A_405, %dma_wait3A_406] : memref<50000x128xf32, #tpu.memory_space<hbm>> -> memref<50000x128xf32, #tpu.memory_space<hbm>>
        tpu.wait_indirect_dma semaphore(%arg20 : memref<!tpu.dma_semaphore, #tpu.memory_space<semaphore_mem>>) src(%dma_wait3A_407 : memref<50000x128xf32, #tpu.memory_space<hbm>>) dst(%arg12 : memref<128x128xf32, #tpu.memory_space<vmem>>)
        %mul3A_408 = arith.constant 98 : i32
        %mul3A_409 = arith.muli %add3A, %mul3A_408 : i32
        %add3A_410 = arith.addi %mul3A_409, %sub3A_216 : i32
        %lt3A_411 = arith.constant 3125 : i32
        %lt3A_412 = arith.cmpi slt, %add3A_410, %lt3A_411 : i32
        %sub3A_413 = arith.constant 3125 : i32
        %sub3A_414 = arith.subi %add3A_410, %sub3A_413 : i32
        %select_n3A_415 = arith.select %lt3A_412, %add3A_410, %sub3A_414 : i32
        %mul3A_416 = arith.constant 128 : i32
        %mul3A_417 = arith.muli %select_n3A_415, %mul3A_416 : i32
        %dma_start3A_418 = arith.constant 0 : i32
        %dma_start3A_419 = tpu.memref_slice %arg4[%mul3A_417, %dma_start3A_418] : memref<400000x128xf32, #tpu.memory_space<hbm>> -> memref<128x128xf32, #tpu.memory_space<hbm>>
        %dma_start3A_420 = arith.constant 0 : i32
        %dma_start3A_421 = tpu.memref_slice %arg4[%mul3A_417, %dma_start3A_420] : memref<400000x128xf32, #tpu.memory_space<hbm>> -> memref<128x128xf32, #tpu.memory_space<hbm>>
        tpu.enqueue_dma source(%arg12 : memref<128x128xf32, #tpu.memory_space<vmem>>) target(%dma_start3A_421 : memref<128x128xf32, #tpu.memory_space<hbm>>) target_semaphore(%arg27 : memref<!tpu.dma_semaphore, #tpu.memory_space<semaphore_mem>>)
      } else {
      }
      %mul3A_222 = arith.constant 7 : i32
      %mul3A_223 = arith.muli %scan3A_179, %mul3A_222 : i32
      %add3A_224 = arith.constant 2 : i32
      %add3A_225 = arith.addi %mul3A_223, %add3A_224 : i32
      %ge3A_226 = arith.constant 1 : i32
      %ge3A_227 = arith.cmpi sge, %scan3A_179, %ge3A_226 : i32
      %convert_element_type3A_228 = arith.extui %ge3A_227 : i1 to i32
      %cond3A_229 = arith.constant 0 : i32
      %cond3A_230 = arith.cmpi ne, %convert_element_type3A_228, %cond3A_229 : i32
      scf.if %cond3A_230 {
        %mul3A_403 = arith.constant 98 : i32
        %mul3A_404 = arith.muli %add3A, %mul3A_403 : i32
        %add3A_405 = arith.constant 0 : i32
        %add3A_406 = arith.addi %mul3A_404, %add3A_405 : i32
        %lt3A_407 = arith.constant 3125 : i32
        %lt3A_408 = arith.cmpi slt, %add3A_406, %lt3A_407 : i32
        %sub3A_409 = arith.constant 3125 : i32
        %sub3A_410 = arith.subi %add3A_406, %sub3A_409 : i32
        %select_n3A_411 = arith.select %lt3A_408, %add3A_406, %sub3A_410 : i32
        %mul3A_412 = arith.constant 128 : i32
        %mul3A_413 = arith.muli %select_n3A_411, %mul3A_412 : i32
        %dma_wait3A_414 = arith.constant 0 : i32
        %dma_wait3A_415 = tpu.memref_slice %arg4[%mul3A_413, %dma_wait3A_414] : memref<400000x128xf32, #tpu.memory_space<hbm>> -> memref<128x128xf32, #tpu.memory_space<hbm>>
        %dma_wait3A_416 = arith.constant 0 : i32
        %dma_wait3A_417 = tpu.memref_slice %arg4[%mul3A_413, %dma_wait3A_416] : memref<400000x128xf32, #tpu.memory_space<hbm>> -> memref<128x128xf32, #tpu.memory_space<hbm>>
        tpu.wait_dma2 semaphore(%arg23 : memref<!tpu.dma_semaphore, #tpu.memory_space<semaphore_mem>>) src(%arg8 : memref<128x128xf32, #tpu.memory_space<vmem>>) dst(%dma_wait3A_417 : memref<128x128xf32, #tpu.memory_space<hbm>>)
      } else {
      }
      %mul3A_231 = arith.constant 128 : i32
      %mul3A_232 = arith.muli %add3A_225, %mul3A_231 : i32
      %dma_start3A_233 = tpu.memref_slice %arg5[%mul3A_232] : memref<12544xi32, #tpu.memory_space<vmem>> -> memref<128xi32, #tpu.memory_space<vmem>>
      %dma_start3A_234 = arith.constant 0 : i32
      %dma_start3A_235 = arith.constant 0 : i32
      %dma_start3A_236 = tpu.memref_slice %arg2[%dma_start3A_234, %dma_start3A_235] : memref<50000x128xf32, #tpu.memory_space<hbm>> -> memref<50000x128xf32, #tpu.memory_space<hbm>>
      tpu.enqueue_indirect_dma source(%dma_start3A_236 : memref<50000x128xf32, #tpu.memory_space<hbm>>) target(%arg8 : memref<128x128xf32, #tpu.memory_space<vmem>>) offsets(%dma_start3A_233 : memref<128xi32, #tpu.memory_space<vmem>>) semaphore(%arg16 : memref<!tpu.dma_semaphore, #tpu.memory_space<semaphore_mem>>)
      %sub3A_237 = arith.constant 2 : i32
      %sub3A_238 = arith.subi %add3A_225, %sub3A_237 : i32
      %dma_wait3A_239 = arith.constant 0 : i32
      %dma_wait3A_240 = tpu.memref_slice %arg5[%dma_wait3A_239] : memref<12544xi32, #tpu.memory_space<vmem>> -> memref<128xi32, #tpu.memory_space<vmem>>
      %dma_wait3A_241 = arith.constant 0 : i32
      %dma_wait3A_242 = arith.constant 0 : i32
      %dma_wait3A_243 = tpu.memref_slice %arg2[%dma_wait3A_241, %dma_wait3A_242] : memref<50000x128xf32, #tpu.memory_space<hbm>> -> memref<50000x128xf32, #tpu.memory_space<hbm>>
      tpu.wait_indirect_dma semaphore(%arg14 : memref<!tpu.dma_semaphore, #tpu.memory_space<semaphore_mem>>) src(%dma_wait3A_243 : memref<50000x128xf32, #tpu.memory_space<hbm>>) dst(%arg6 : memref<128x128xf32, #tpu.memory_space<vmem>>)
      %mul3A_244 = arith.constant 98 : i32
      %mul3A_245 = arith.muli %add3A, %mul3A_244 : i32
      %add3A_246 = arith.addi %mul3A_245, %sub3A_238 : i32
      %lt3A_247 = arith.constant 3125 : i32
      %lt3A_248 = arith.cmpi slt, %add3A_246, %lt3A_247 : i32
      %sub3A_249 = arith.constant 3125 : i32
      %sub3A_250 = arith.subi %add3A_246, %sub3A_249 : i32
      %select_n3A_251 = arith.select %lt3A_248, %add3A_246, %sub3A_250 : i32
      %mul3A_252 = arith.constant 128 : i32
      %mul3A_253 = arith.muli %select_n3A_251, %mul3A_252 : i32
      %dma_start3A_254 = arith.constant 0 : i32
      %dma_start3A_255 = tpu.memref_slice %arg4[%mul3A_253, %dma_start3A_254] : memref<400000x128xf32, #tpu.memory_space<hbm>> -> memref<128x128xf32, #tpu.memory_space<hbm>>
      %dma_start3A_256 = arith.constant 0 : i32
      %dma_start3A_257 = tpu.memref_slice %arg4[%mul3A_253, %dma_start3A_256] : memref<400000x128xf32, #tpu.memory_space<hbm>> -> memref<128x128xf32, #tpu.memory_space<hbm>>
      tpu.enqueue_dma source(%arg6 : memref<128x128xf32, #tpu.memory_space<vmem>>) target(%dma_start3A_257 : memref<128x128xf32, #tpu.memory_space<hbm>>) target_semaphore(%arg21 : memref<!tpu.dma_semaphore, #tpu.memory_space<semaphore_mem>>)
      %mul3A_258 = arith.constant 7 : i32
      %mul3A_259 = arith.muli %scan3A_179, %mul3A_258 : i32
      %add3A_260 = arith.constant 3 : i32
      %add3A_261 = arith.addi %mul3A_259, %add3A_260 : i32
      %ge3A_262 = arith.constant 1 : i32
      %ge3A_263 = arith.cmpi sge, %scan3A_179, %ge3A_262 : i32
      %convert_element_type3A_264 = arith.extui %ge3A_263 : i1 to i32
      %cond3A_265 = arith.constant 0 : i32
      %cond3A_266 = arith.cmpi ne, %convert_element_type3A_264, %cond3A_265 : i32
      scf.if %cond3A_266 {
        %mul3A_403 = arith.constant 98 : i32
        %mul3A_404 = arith.muli %add3A, %mul3A_403 : i32
        %add3A_405 = arith.constant 0 : i32
        %add3A_406 = arith.addi %mul3A_404, %add3A_405 : i32
        %lt3A_407 = arith.constant 3125 : i32
        %lt3A_408 = arith.cmpi slt, %add3A_406, %lt3A_407 : i32
        %sub3A_409 = arith.constant 3125 : i32
        %sub3A_410 = arith.subi %add3A_406, %sub3A_409 : i32
        %select_n3A_411 = arith.select %lt3A_408, %add3A_406, %sub3A_410 : i32
        %mul3A_412 = arith.constant 128 : i32
        %mul3A_413 = arith.muli %select_n3A_411, %mul3A_412 : i32
        %dma_wait3A_414 = arith.constant 0 : i32
        %dma_wait3A_415 = tpu.memref_slice %arg4[%mul3A_413, %dma_wait3A_414] : memref<400000x128xf32, #tpu.memory_space<hbm>> -> memref<128x128xf32, #tpu.memory_space<hbm>>
        %dma_wait3A_416 = arith.constant 0 : i32
        %dma_wait3A_417 = tpu.memref_slice %arg4[%mul3A_413, %dma_wait3A_416] : memref<400000x128xf32, #tpu.memory_space<hbm>> -> memref<128x128xf32, #tpu.memory_space<hbm>>
        tpu.wait_dma2 semaphore(%arg24 : memref<!tpu.dma_semaphore, #tpu.memory_space<semaphore_mem>>) src(%arg9 : memref<128x128xf32, #tpu.memory_space<vmem>>) dst(%dma_wait3A_417 : memref<128x128xf32, #tpu.memory_space<hbm>>)
      } else {
      }
      %mul3A_267 = arith.constant 128 : i32
      %mul3A_268 = arith.muli %add3A_261, %mul3A_267 : i32
      %dma_start3A_269 = tpu.memref_slice %arg5[%mul3A_268] : memref<12544xi32, #tpu.memory_space<vmem>> -> memref<128xi32, #tpu.memory_space<vmem>>
      %dma_start3A_270 = arith.constant 0 : i32
      %dma_start3A_271 = arith.constant 0 : i32
      %dma_start3A_272 = tpu.memref_slice %arg2[%dma_start3A_270, %dma_start3A_271] : memref<50000x128xf32, #tpu.memory_space<hbm>> -> memref<50000x128xf32, #tpu.memory_space<hbm>>
      tpu.enqueue_indirect_dma source(%dma_start3A_272 : memref<50000x128xf32, #tpu.memory_space<hbm>>) target(%arg9 : memref<128x128xf32, #tpu.memory_space<vmem>>) offsets(%dma_start3A_269 : memref<128xi32, #tpu.memory_space<vmem>>) semaphore(%arg17 : memref<!tpu.dma_semaphore, #tpu.memory_space<semaphore_mem>>)
      %sub3A_273 = arith.constant 2 : i32
      %sub3A_274 = arith.subi %add3A_261, %sub3A_273 : i32
      %dma_wait3A_275 = arith.constant 0 : i32
      %dma_wait3A_276 = tpu.memref_slice %arg5[%dma_wait3A_275] : memref<12544xi32, #tpu.memory_space<vmem>> -> memref<128xi32, #tpu.memory_space<vmem>>
      %dma_wait3A_277 = arith.constant 0 : i32
      %dma_wait3A_278 = arith.constant 0 : i32
      %dma_wait3A_279 = tpu.memref_slice %arg2[%dma_wait3A_277, %dma_wait3A_278] : memref<50000x128xf32, #tpu.memory_space<hbm>> -> memref<50000x128xf32, #tpu.memory_space<hbm>>
      tpu.wait_indirect_dma semaphore(%arg15 : memref<!tpu.dma_semaphore, #tpu.memory_space<semaphore_mem>>) src(%dma_wait3A_279 : memref<50000x128xf32, #tpu.memory_space<hbm>>) dst(%arg7 : memref<128x128xf32, #tpu.memory_space<vmem>>)
      %mul3A_280 = arith.constant 98 : i32
      %mul3A_281 = arith.muli %add3A, %mul3A_280 : i32
      %add3A_282 = arith.addi %mul3A_281, %sub3A_274 : i32
      %lt3A_283 = arith.constant 3125 : i32
      %lt3A_284 = arith.cmpi slt, %add3A_282, %lt3A_283 : i32
      %sub3A_285 = arith.constant 3125 : i32
      %sub3A_286 = arith.subi %add3A_282, %sub3A_285 : i32
      %select_n3A_287 = arith.select %lt3A_284, %add3A_282, %sub3A_286 : i32
      %mul3A_288 = arith.constant 128 : i32
      %mul3A_289 = arith.muli %select_n3A_287, %mul3A_288 : i32
      %dma_start3A_290 = arith.constant 0 : i32
      %dma_start3A_291 = tpu.memref_slice %arg4[%mul3A_289, %dma_start3A_290] : memref<400000x128xf32, #tpu.memory_space<hbm>> -> memref<128x128xf32, #tpu.memory_space<hbm>>
      %dma_start3A_292 = arith.constant 0 : i32
      %dma_start3A_293 = tpu.memref_slice %arg4[%mul3A_289, %dma_start3A_292] : memref<400000x128xf32, #tpu.memory_space<hbm>> -> memref<128x128xf32, #tpu.memory_space<hbm>>
      tpu.enqueue_dma source(%arg7 : memref<128x128xf32, #tpu.memory_space<vmem>>) target(%dma_start3A_293 : memref<128x128xf32, #tpu.memory_space<hbm>>) target_semaphore(%arg22 : memref<!tpu.dma_semaphore, #tpu.memory_space<semaphore_mem>>)
      %mul3A_294 = arith.constant 7 : i32
      %mul3A_295 = arith.muli %scan3A_179, %mul3A_294 : i32
      %add3A_296 = arith.constant 4 : i32
      %add3A_297 = arith.addi %mul3A_295, %add3A_296 : i32
      %ge3A_298 = arith.constant 1 : i32
      %ge3A_299 = arith.cmpi sge, %scan3A_179, %ge3A_298 : i32
      %convert_element_type3A_300 = arith.extui %ge3A_299 : i1 to i32
      %cond3A_301 = arith.constant 0 : i32
      %cond3A_302 = arith.cmpi ne, %convert_element_type3A_300, %cond3A_301 : i32
      scf.if %cond3A_302 {
        %mul3A_403 = arith.constant 98 : i32
        %mul3A_404 = arith.muli %add3A, %mul3A_403 : i32
        %add3A_405 = arith.constant 0 : i32
        %add3A_406 = arith.addi %mul3A_404, %add3A_405 : i32
        %lt3A_407 = arith.constant 3125 : i32
        %lt3A_408 = arith.cmpi slt, %add3A_406, %lt3A_407 : i32
        %sub3A_409 = arith.constant 3125 : i32
        %sub3A_410 = arith.subi %add3A_406, %sub3A_409 : i32
        %select_n3A_411 = arith.select %lt3A_408, %add3A_406, %sub3A_410 : i32
        %mul3A_412 = arith.constant 128 : i32
        %mul3A_413 = arith.muli %select_n3A_411, %mul3A_412 : i32
        %dma_wait3A_414 = arith.constant 0 : i32
        %dma_wait3A_415 = tpu.memref_slice %arg4[%mul3A_413, %dma_wait3A_414] : memref<400000x128xf32, #tpu.memory_space<hbm>> -> memref<128x128xf32, #tpu.memory_space<hbm>>
        %dma_wait3A_416 = arith.constant 0 : i32
        %dma_wait3A_417 = tpu.memref_slice %arg4[%mul3A_413, %dma_wait3A_416] : memref<400000x128xf32, #tpu.memory_space<hbm>> -> memref<128x128xf32, #tpu.memory_space<hbm>>
        tpu.wait_dma2 semaphore(%arg25 : memref<!tpu.dma_semaphore, #tpu.memory_space<semaphore_mem>>) src(%arg10 : memref<128x128xf32, #tpu.memory_space<vmem>>) dst(%dma_wait3A_417 : memref<128x128xf32, #tpu.memory_space<hbm>>)
      } else {
      }
      %mul3A_303 = arith.constant 128 : i32
      %mul3A_304 = arith.muli %add3A_297, %mul3A_303 : i32
      %dma_start3A_305 = tpu.memref_slice %arg5[%mul3A_304] : memref<12544xi32, #tpu.memory_space<vmem>> -> memref<128xi32, #tpu.memory_space<vmem>>
      %dma_start3A_306 = arith.constant 0 : i32
      %dma_start3A_307 = arith.constant 0 : i32
      %dma_start3A_308 = tpu.memref_slice %arg2[%dma_start3A_306, %dma_start3A_307] : memref<50000x128xf32, #tpu.memory_space<hbm>> -> memref<50000x128xf32, #tpu.memory_space<hbm>>
      tpu.enqueue_indirect_dma source(%dma_start3A_308 : memref<50000x128xf32, #tpu.memory_space<hbm>>) target(%arg10 : memref<128x128xf32, #tpu.memory_space<vmem>>) offsets(%dma_start3A_305 : memref<128xi32, #tpu.memory_space<vmem>>) semaphore(%arg18 : memref<!tpu.dma_semaphore, #tpu.memory_space<semaphore_mem>>)
      %sub3A_309 = arith.constant 2 : i32
      %sub3A_310 = arith.subi %add3A_297, %sub3A_309 : i32
      %dma_wait3A_311 = arith.constant 0 : i32
      %dma_wait3A_312 = tpu.memref_slice %arg5[%dma_wait3A_311] : memref<12544xi32, #tpu.memory_space<vmem>> -> memref<128xi32, #tpu.memory_space<vmem>>
      %dma_wait3A_313 = arith.constant 0 : i32
      %dma_wait3A_314 = arith.constant 0 : i32
      %dma_wait3A_315 = tpu.memref_slice %arg2[%dma_wait3A_313, %dma_wait3A_314] : memref<50000x128xf32, #tpu.memory_space<hbm>> -> memref<50000x128xf32, #tpu.memory_space<hbm>>
      tpu.wait_indirect_dma semaphore(%arg16 : memref<!tpu.dma_semaphore, #tpu.memory_space<semaphore_mem>>) src(%dma_wait3A_315 : memref<50000x128xf32, #tpu.memory_space<hbm>>) dst(%arg8 : memref<128x128xf32, #tpu.memory_space<vmem>>)
      %mul3A_316 = arith.constant 98 : i32
      %mul3A_317 = arith.muli %add3A, %mul3A_316 : i32
      %add3A_318 = arith.addi %mul3A_317, %sub3A_310 : i32
      %lt3A_319 = arith.constant 3125 : i32
      %lt3A_320 = arith.cmpi slt, %add3A_318, %lt3A_319 : i32
      %sub3A_321 = arith.constant 3125 : i32
      %sub3A_322 = arith.subi %add3A_318, %sub3A_321 : i32
      %select_n3A_323 = arith.select %lt3A_320, %add3A_318, %sub3A_322 : i32
      %mul3A_324 = arith.constant 128 : i32
      %mul3A_325 = arith.muli %select_n3A_323, %mul3A_324 : i32
      %dma_start3A_326 = arith.constant 0 : i32
      %dma_start3A_327 = tpu.memref_slice %arg4[%mul3A_325, %dma_start3A_326] : memref<400000x128xf32, #tpu.memory_space<hbm>> -> memref<128x128xf32, #tpu.memory_space<hbm>>
      %dma_start3A_328 = arith.constant 0 : i32
      %dma_start3A_329 = tpu.memref_slice %arg4[%mul3A_325, %dma_start3A_328] : memref<400000x128xf32, #tpu.memory_space<hbm>> -> memref<128x128xf32, #tpu.memory_space<hbm>>
      tpu.enqueue_dma source(%arg8 : memref<128x128xf32, #tpu.memory_space<vmem>>) target(%dma_start3A_329 : memref<128x128xf32, #tpu.memory_space<hbm>>) target_semaphore(%arg23 : memref<!tpu.dma_semaphore, #tpu.memory_space<semaphore_mem>>)
      %mul3A_330 = arith.constant 7 : i32
      %mul3A_331 = arith.muli %scan3A_179, %mul3A_330 : i32
      %add3A_332 = arith.constant 5 : i32
      %add3A_333 = arith.addi %mul3A_331, %add3A_332 : i32
      %ge3A_334 = arith.constant 1 : i32
      %ge3A_335 = arith.cmpi sge, %scan3A_179, %ge3A_334 : i32
      %convert_element_type3A_336 = arith.extui %ge3A_335 : i1 to i32
      %cond3A_337 = arith.constant 0 : i32
      %cond3A_338 = arith.cmpi ne, %convert_element_type3A_336, %cond3A_337 : i32
      scf.if %cond3A_338 {
        %mul3A_403 = arith.constant 98 : i32
        %mul3A_404 = arith.muli %add3A, %mul3A_403 : i32
        %add3A_405 = arith.constant 0 : i32
        %add3A_406 = arith.addi %mul3A_404, %add3A_405 : i32
        %lt3A_407 = arith.constant 3125 : i32
        %lt3A_408 = arith.cmpi slt, %add3A_406, %lt3A_407 : i32
        %sub3A_409 = arith.constant 3125 : i32
        %sub3A_410 = arith.subi %add3A_406, %sub3A_409 : i32
        %select_n3A_411 = arith.select %lt3A_408, %add3A_406, %sub3A_410 : i32
        %mul3A_412 = arith.constant 128 : i32
        %mul3A_413 = arith.muli %select_n3A_411, %mul3A_412 : i32
        %dma_wait3A_414 = arith.constant 0 : i32
        %dma_wait3A_415 = tpu.memref_slice %arg4[%mul3A_413, %dma_wait3A_414] : memref<400000x128xf32, #tpu.memory_space<hbm>> -> memref<128x128xf32, #tpu.memory_space<hbm>>
        %dma_wait3A_416 = arith.constant 0 : i32
        %dma_wait3A_417 = tpu.memref_slice %arg4[%mul3A_413, %dma_wait3A_416] : memref<400000x128xf32, #tpu.memory_space<hbm>> -> memref<128x128xf32, #tpu.memory_space<hbm>>
        tpu.wait_dma2 semaphore(%arg26 : memref<!tpu.dma_semaphore, #tpu.memory_space<semaphore_mem>>) src(%arg11 : memref<128x128xf32, #tpu.memory_space<vmem>>) dst(%dma_wait3A_417 : memref<128x128xf32, #tpu.memory_space<hbm>>)
      } else {
      }
      %mul3A_339 = arith.constant 128 : i32
      %mul3A_340 = arith.muli %add3A_333, %mul3A_339 : i32
      %dma_start3A_341 = tpu.memref_slice %arg5[%mul3A_340] : memref<12544xi32, #tpu.memory_space<vmem>> -> memref<128xi32, #tpu.memory_space<vmem>>
      %dma_start3A_342 = arith.constant 0 : i32
      %dma_start3A_343 = arith.constant 0 : i32
      %dma_start3A_344 = tpu.memref_slice %arg2[%dma_start3A_342, %dma_start3A_343] : memref<50000x128xf32, #tpu.memory_space<hbm>> -> memref<50000x128xf32, #tpu.memory_space<hbm>>
      tpu.enqueue_indirect_dma source(%dma_start3A_344 : memref<50000x128xf32, #tpu.memory_space<hbm>>) target(%arg11 : memref<128x128xf32, #tpu.memory_space<vmem>>) offsets(%dma_start3A_341 : memref<128xi32, #tpu.memory_space<vmem>>) semaphore(%arg19 : memref<!tpu.dma_semaphore, #tpu.memory_space<semaphore_mem>>)
      %sub3A_345 = arith.constant 2 : i32
      %sub3A_346 = arith.subi %add3A_333, %sub3A_345 : i32
      %dma_wait3A_347 = arith.constant 0 : i32
      %dma_wait3A_348 = tpu.memref_slice %arg5[%dma_wait3A_347] : memref<12544xi32, #tpu.memory_space<vmem>> -> memref<128xi32, #tpu.memory_space<vmem>>
      %dma_wait3A_349 = arith.constant 0 : i32
      %dma_wait3A_350 = arith.constant 0 : i32
      %dma_wait3A_351 = tpu.memref_slice %arg2[%dma_wait3A_349, %dma_wait3A_350] : memref<50000x128xf32, #tpu.memory_space<hbm>> -> memref<50000x128xf32, #tpu.memory_space<hbm>>
      tpu.wait_indirect_dma semaphore(%arg17 : memref<!tpu.dma_semaphore, #tpu.memory_space<semaphore_mem>>) src(%dma_wait3A_351 : memref<50000x128xf32, #tpu.memory_space<hbm>>) dst(%arg9 : memref<128x128xf32, #tpu.memory_space<vmem>>)
      %mul3A_352 = arith.constant 98 : i32
      %mul3A_353 = arith.muli %add3A, %mul3A_352 : i32
      %add3A_354 = arith.addi %mul3A_353, %sub3A_346 : i32
      %lt3A_355 = arith.constant 3125 : i32
      %lt3A_356 = arith.cmpi slt, %add3A_354, %lt3A_355 : i32
      %sub3A_357 = arith.constant 3125 : i32
      %sub3A_358 = arith.subi %add3A_354, %sub3A_357 : i32
      %select_n3A_359 = arith.select %lt3A_356, %add3A_354, %sub3A_358 : i32
      %mul3A_360 = arith.constant 128 : i32
      %mul3A_361 = arith.muli %select_n3A_359, %mul3A_360 : i32
      %dma_start3A_362 = arith.constant 0 : i32
      %dma_start3A_363 = tpu.memref_slice %arg4[%mul3A_361, %dma_start3A_362] : memref<400000x128xf32, #tpu.memory_space<hbm>> -> memref<128x128xf32, #tpu.memory_space<hbm>>
      %dma_start3A_364 = arith.constant 0 : i32
      %dma_start3A_365 = tpu.memref_slice %arg4[%mul3A_361, %dma_start3A_364] : memref<400000x128xf32, #tpu.memory_space<hbm>> -> memref<128x128xf32, #tpu.memory_space<hbm>>
      tpu.enqueue_dma source(%arg9 : memref<128x128xf32, #tpu.memory_space<vmem>>) target(%dma_start3A_365 : memref<128x128xf32, #tpu.memory_space<hbm>>) target_semaphore(%arg24 : memref<!tpu.dma_semaphore, #tpu.memory_space<semaphore_mem>>)
      %mul3A_366 = arith.constant 7 : i32
      %mul3A_367 = arith.muli %scan3A_179, %mul3A_366 : i32
      %add3A_368 = arith.constant 6 : i32
      %add3A_369 = arith.addi %mul3A_367, %add3A_368 : i32
      %ge3A_370 = arith.constant 1 : i32
      %ge3A_371 = arith.cmpi sge, %scan3A_179, %ge3A_370 : i32
      %convert_element_type3A_372 = arith.extui %ge3A_371 : i1 to i32
      %cond3A_373 = arith.constant 0 : i32
      %cond3A_374 = arith.cmpi ne, %convert_element_type3A_372, %cond3A_373 : i32
      scf.if %cond3A_374 {
        %mul3A_403 = arith.constant 98 : i32
        %mul3A_404 = arith.muli %add3A, %mul3A_403 : i32
        %add3A_405 = arith.constant 0 : i32
        %add3A_406 = arith.addi %mul3A_404, %add3A_405 : i32
        %lt3A_407 = arith.constant 3125 : i32
        %lt3A_408 = arith.cmpi slt, %add3A_406, %lt3A_407 : i32
        %sub3A_409 = arith.constant 3125 : i32
        %sub3A_410 = arith.subi %add3A_406, %sub3A_409 : i32
        %select_n3A_411 = arith.select %lt3A_408, %add3A_406, %sub3A_410 : i32
        %mul3A_412 = arith.constant 128 : i32
        %mul3A_413 = arith.muli %select_n3A_411, %mul3A_412 : i32
        %dma_wait3A_414 = arith.constant 0 : i32
        %dma_wait3A_415 = tpu.memref_slice %arg4[%mul3A_413, %dma_wait3A_414] : memref<400000x128xf32, #tpu.memory_space<hbm>> -> memref<128x128xf32, #tpu.memory_space<hbm>>
        %dma_wait3A_416 = arith.constant 0 : i32
        %dma_wait3A_417 = tpu.memref_slice %arg4[%mul3A_413, %dma_wait3A_416] : memref<400000x128xf32, #tpu.memory_space<hbm>> -> memref<128x128xf32, #tpu.memory_space<hbm>>
        tpu.wait_dma2 semaphore(%arg27 : memref<!tpu.dma_semaphore, #tpu.memory_space<semaphore_mem>>) src(%arg12 : memref<128x128xf32, #tpu.memory_space<vmem>>) dst(%dma_wait3A_417 : memref<128x128xf32, #tpu.memory_space<hbm>>)
      } else {
      }
      %mul3A_375 = arith.constant 128 : i32
      %mul3A_376 = arith.muli %add3A_369, %mul3A_375 : i32
      %dma_start3A_377 = tpu.memref_slice %arg5[%mul3A_376] : memref<12544xi32, #tpu.memory_space<vmem>> -> memref<128xi32, #tpu.memory_space<vmem>>
      %dma_start3A_378 = arith.constant 0 : i32
      %dma_start3A_379 = arith.constant 0 : i32
      %dma_start3A_380 = tpu.memref_slice %arg2[%dma_start3A_378, %dma_start3A_379] : memref<50000x128xf32, #tpu.memory_space<hbm>> -> memref<50000x128xf32, #tpu.memory_space<hbm>>
      tpu.enqueue_indirect_dma source(%dma_start3A_380 : memref<50000x128xf32, #tpu.memory_space<hbm>>) target(%arg12 : memref<128x128xf32, #tpu.memory_space<vmem>>) offsets(%dma_start3A_377 : memref<128xi32, #tpu.memory_space<vmem>>) semaphore(%arg20 : memref<!tpu.dma_semaphore, #tpu.memory_space<semaphore_mem>>)
      %sub3A_381 = arith.constant 2 : i32
      %sub3A_382 = arith.subi %add3A_369, %sub3A_381 : i32
      %dma_wait3A_383 = arith.constant 0 : i32
      %dma_wait3A_384 = tpu.memref_slice %arg5[%dma_wait3A_383] : memref<12544xi32, #tpu.memory_space<vmem>> -> memref<128xi32, #tpu.memory_space<vmem>>
      %dma_wait3A_385 = arith.constant 0 : i32
      %dma_wait3A_386 = arith.constant 0 : i32
      %dma_wait3A_387 = tpu.memref_slice %arg2[%dma_wait3A_385, %dma_wait3A_386] : memref<50000x128xf32, #tpu.memory_space<hbm>> -> memref<50000x128xf32, #tpu.memory_space<hbm>>
      tpu.wait_indirect_dma semaphore(%arg18 : memref<!tpu.dma_semaphore, #tpu.memory_space<semaphore_mem>>) src(%dma_wait3A_387 : memref<50000x128xf32, #tpu.memory_space<hbm>>) dst(%arg10 : memref<128x128xf32, #tpu.memory_space<vmem>>)
      %mul3A_388 = arith.constant 98 : i32
      %mul3A_389 = arith.muli %add3A, %mul3A_388 : i32
      %add3A_390 = arith.addi %mul3A_389, %sub3A_382 : i32
      %lt3A_391 = arith.constant 3125 : i32
      %lt3A_392 = arith.cmpi slt, %add3A_390, %lt3A_391 : i32
      %sub3A_393 = arith.constant 3125 : i32
      %sub3A_394 = arith.subi %add3A_390, %sub3A_393 : i32
      %select_n3A_395 = arith.select %lt3A_392, %add3A_390, %sub3A_394 : i32
      %mul3A_396 = arith.constant 128 : i32
      %mul3A_397 = arith.muli %select_n3A_395, %mul3A_396 : i32
      %dma_start3A_398 = arith.constant 0 : i32
      %dma_start3A_399 = tpu.memref_slice %arg4[%mul3A_397, %dma_start3A_398] : memref<400000x128xf32, #tpu.memory_space<hbm>> -> memref<128x128xf32, #tpu.memory_space<hbm>>
      %dma_start3A_400 = arith.constant 0 : i32
      %dma_start3A_401 = tpu.memref_slice %arg4[%mul3A_397, %dma_start3A_400] : memref<400000x128xf32, #tpu.memory_space<hbm>> -> memref<128x128xf32, #tpu.memory_space<hbm>>
      tpu.enqueue_dma source(%arg10 : memref<128x128xf32, #tpu.memory_space<vmem>>) target(%dma_start3A_401 : memref<128x128xf32, #tpu.memory_space<hbm>>) target_semaphore(%arg25 : memref<!tpu.dma_semaphore, #tpu.memory_space<semaphore_mem>>)
      %scan3A_402 = arith.constant 0 : i32
      scf.yield %scan3A_402 : i32
    }
    %scan3A_35 = arith.constant 14 : i32
    %dma_wait3A_36 = arith.constant 0 : i32
    %dma_wait3A_37 = tpu.memref_slice %arg5[%dma_wait3A_36] : memref<12544xi32, #tpu.memory_space<vmem>> -> memref<128xi32, #tpu.memory_space<vmem>>
    %dma_wait3A_38 = arith.constant 0 : i32
    %dma_wait3A_39 = arith.constant 0 : i32
    %dma_wait3A_40 = tpu.memref_slice %arg2[%dma_wait3A_38, %dma_wait3A_39] : memref<50000x128xf32, #tpu.memory_space<hbm>> -> memref<50000x128xf32, #tpu.memory_space<hbm>>
    tpu.wait_indirect_dma semaphore(%arg19 : memref<!tpu.dma_semaphore, #tpu.memory_space<semaphore_mem>>) src(%dma_wait3A_40 : memref<50000x128xf32, #tpu.memory_space<hbm>>) dst(%arg11 : memref<128x128xf32, #tpu.memory_space<vmem>>)
    %mul3A_41 = arith.constant 98 : i32
    %mul3A_42 = arith.muli %add3A, %mul3A_41 : i32
    %add3A_43 = arith.constant 96 : i32
    %add3A_44 = arith.addi %mul3A_42, %add3A_43 : i32
    %lt3A = arith.constant 3125 : i32
    %lt3A_45 = arith.cmpi slt, %add3A_44, %lt3A : i32
    %sub3A = arith.constant 3125 : i32
    %sub3A_46 = arith.subi %add3A_44, %sub3A : i32
    %select_n3A_47 = arith.select %lt3A_45, %add3A_44, %sub3A_46 : i32
    %mul3A_48 = arith.constant 128 : i32
    %mul3A_49 = arith.muli %select_n3A_47, %mul3A_48 : i32
    %dma_start3A_50 = arith.constant 0 : i32
    %dma_start3A_51 = tpu.memref_slice %arg4[%mul3A_49, %dma_start3A_50] : memref<400000x128xf32, #tpu.memory_space<hbm>> -> memref<128x128xf32, #tpu.memory_space<hbm>>
    %dma_start3A_52 = arith.constant 0 : i32
    %dma_start3A_53 = tpu.memref_slice %arg4[%mul3A_49, %dma_start3A_52] : memref<400000x128xf32, #tpu.memory_space<hbm>> -> memref<128x128xf32, #tpu.memory_space<hbm>>
    tpu.enqueue_dma source(%arg11 : memref<128x128xf32, #tpu.memory_space<vmem>>) target(%dma_start3A_53 : memref<128x128xf32, #tpu.memory_space<hbm>>) target_semaphore(%arg26 : memref<!tpu.dma_semaphore, #tpu.memory_space<semaphore_mem>>)
    %dma_wait3A_54 = arith.constant 0 : i32
    %dma_wait3A_55 = tpu.memref_slice %arg5[%dma_wait3A_54] : memref<12544xi32, #tpu.memory_space<vmem>> -> memref<128xi32, #tpu.memory_space<vmem>>
    %dma_wait3A_56 = arith.constant 0 : i32
    %dma_wait3A_57 = arith.constant 0 : i32
    %dma_wait3A_58 = tpu.memref_slice %arg2[%dma_wait3A_56, %dma_wait3A_57] : memref<50000x128xf32, #tpu.memory_space<hbm>> -> memref<50000x128xf32, #tpu.memory_space<hbm>>
    tpu.wait_indirect_dma semaphore(%arg20 : memref<!tpu.dma_semaphore, #tpu.memory_space<semaphore_mem>>) src(%dma_wait3A_58 : memref<50000x128xf32, #tpu.memory_space<hbm>>) dst(%arg12 : memref<128x128xf32, #tpu.memory_space<vmem>>)
    %mul3A_59 = arith.constant 98 : i32
    %mul3A_60 = arith.muli %add3A, %mul3A_59 : i32
    %add3A_61 = arith.constant 97 : i32
    %add3A_62 = arith.addi %mul3A_60, %add3A_61 : i32
    %lt3A_63 = arith.constant 3125 : i32
    %lt3A_64 = arith.cmpi slt, %add3A_62, %lt3A_63 : i32
    %sub3A_65 = arith.constant 3125 : i32
    %sub3A_66 = arith.subi %add3A_62, %sub3A_65 : i32
    %select_n3A_67 = arith.select %lt3A_64, %add3A_62, %sub3A_66 : i32
    %mul3A_68 = arith.constant 128 : i32
    %mul3A_69 = arith.muli %select_n3A_67, %mul3A_68 : i32
    %dma_start3A_70 = arith.constant 0 : i32
    %dma_start3A_71 = tpu.memref_slice %arg4[%mul3A_69, %dma_start3A_70] : memref<400000x128xf32, #tpu.memory_space<hbm>> -> memref<128x128xf32, #tpu.memory_space<hbm>>
    %dma_start3A_72 = arith.constant 0 : i32
    %dma_start3A_73 = tpu.memref_slice %arg4[%mul3A_69, %dma_start3A_72] : memref<400000x128xf32, #tpu.memory_space<hbm>> -> memref<128x128xf32, #tpu.memory_space<hbm>>
    tpu.enqueue_dma source(%arg12 : memref<128x128xf32, #tpu.memory_space<vmem>>) target(%dma_start3A_73 : memref<128x128xf32, #tpu.memory_space<hbm>>) target_semaphore(%arg27 : memref<!tpu.dma_semaphore, #tpu.memory_space<semaphore_mem>>)
    %mul3A_74 = arith.constant 98 : i32
    %mul3A_75 = arith.muli %add3A, %mul3A_74 : i32
    %add3A_76 = arith.constant 0 : i32
    %add3A_77 = arith.addi %mul3A_75, %add3A_76 : i32
    %lt3A_78 = arith.constant 3125 : i32
    %lt3A_79 = arith.cmpi slt, %add3A_77, %lt3A_78 : i32
    %sub3A_80 = arith.constant 3125 : i32
    %sub3A_81 = arith.subi %add3A_77, %sub3A_80 : i32
    %select_n3A_82 = arith.select %lt3A_79, %add3A_77, %sub3A_81 : i32
    %mul3A_83 = arith.constant 128 : i32
    %mul3A_84 = arith.muli %select_n3A_82, %mul3A_83 : i32
    %dma_wait3A_85 = arith.constant 0 : i32
    %dma_wait3A_86 = tpu.memref_slice %arg4[%mul3A_84, %dma_wait3A_85] : memref<400000x128xf32, #tpu.memory_space<hbm>> -> memref<128x128xf32, #tpu.memory_space<hbm>>
    %dma_wait3A_87 = arith.constant 0 : i32
    %dma_wait3A_88 = tpu.memref_slice %arg4[%mul3A_84, %dma_wait3A_87] : memref<400000x128xf32, #tpu.memory_space<hbm>> -> memref<128x128xf32, #tpu.memory_space<hbm>>
    tpu.wait_dma2 semaphore(%arg21 : memref<!tpu.dma_semaphore, #tpu.memory_space<semaphore_mem>>) src(%arg6 : memref<128x128xf32, #tpu.memory_space<vmem>>) dst(%dma_wait3A_88 : memref<128x128xf32, #tpu.memory_space<hbm>>)
    %mul3A_89 = arith.constant 98 : i32
    %mul3A_90 = arith.muli %add3A, %mul3A_89 : i32
    %add3A_91 = arith.constant 0 : i32
    %add3A_92 = arith.addi %mul3A_90, %add3A_91 : i32
    %lt3A_93 = arith.constant 3125 : i32
    %lt3A_94 = arith.cmpi slt, %add3A_92, %lt3A_93 : i32
    %sub3A_95 = arith.constant 3125 : i32
    %sub3A_96 = arith.subi %add3A_92, %sub3A_95 : i32
    %select_n3A_97 = arith.select %lt3A_94, %add3A_92, %sub3A_96 : i32
    %mul3A_98 = arith.constant 128 : i32
    %mul3A_99 = arith.muli %select_n3A_97, %mul3A_98 : i32
    %dma_wait3A_100 = arith.constant 0 : i32
    %dma_wait3A_101 = tpu.memref_slice %arg4[%mul3A_99, %dma_wait3A_100] : memref<400000x128xf32, #tpu.memory_space<hbm>> -> memref<128x128xf32, #tpu.memory_space<hbm>>
    %dma_wait3A_102 = arith.constant 0 : i32
    %dma_wait3A_103 = tpu.memref_slice %arg4[%mul3A_99, %dma_wait3A_102] : memref<400000x128xf32, #tpu.memory_space<hbm>> -> memref<128x128xf32, #tpu.memory_space<hbm>>
    tpu.wait_dma2 semaphore(%arg22 : memref<!tpu.dma_semaphore, #tpu.memory_space<semaphore_mem>>) src(%arg7 : memref<128x128xf32, #tpu.memory_space<vmem>>) dst(%dma_wait3A_103 : memref<128x128xf32, #tpu.memory_space<hbm>>)
    %mul3A_104 = arith.constant 98 : i32
    %mul3A_105 = arith.muli %add3A, %mul3A_104 : i32
    %add3A_106 = arith.constant 0 : i32
    %add3A_107 = arith.addi %mul3A_105, %add3A_106 : i32
    %lt3A_108 = arith.constant 3125 : i32
    %lt3A_109 = arith.cmpi slt, %add3A_107, %lt3A_108 : i32
    %sub3A_110 = arith.constant 3125 : i32
    %sub3A_111 = arith.subi %add3A_107, %sub3A_110 : i32
    %select_n3A_112 = arith.select %lt3A_109, %add3A_107, %sub3A_111 : i32
    %mul3A_113 = arith.constant 128 : i32
    %mul3A_114 = arith.muli %select_n3A_112, %mul3A_113 : i32
    %dma_wait3A_115 = arith.constant 0 : i32
    %dma_wait3A_116 = tpu.memref_slice %arg4[%mul3A_114, %dma_wait3A_115] : memref<400000x128xf32, #tpu.memory_space<hbm>> -> memref<128x128xf32, #tpu.memory_space<hbm>>
    %dma_wait3A_117 = arith.constant 0 : i32
    %dma_wait3A_118 = tpu.memref_slice %arg4[%mul3A_114, %dma_wait3A_117] : memref<400000x128xf32, #tpu.memory_space<hbm>> -> memref<128x128xf32, #tpu.memory_space<hbm>>
    tpu.wait_dma2 semaphore(%arg23 : memref<!tpu.dma_semaphore, #tpu.memory_space<semaphore_mem>>) src(%arg8 : memref<128x128xf32, #tpu.memory_space<vmem>>) dst(%dma_wait3A_118 : memref<128x128xf32, #tpu.memory_space<hbm>>)
    %mul3A_119 = arith.constant 98 : i32
    %mul3A_120 = arith.muli %add3A, %mul3A_119 : i32
    %add3A_121 = arith.constant 0 : i32
    %add3A_122 = arith.addi %mul3A_120, %add3A_121 : i32
    %lt3A_123 = arith.constant 3125 : i32
    %lt3A_124 = arith.cmpi slt, %add3A_122, %lt3A_123 : i32
    %sub3A_125 = arith.constant 3125 : i32
    %sub3A_126 = arith.subi %add3A_122, %sub3A_125 : i32
    %select_n3A_127 = arith.select %lt3A_124, %add3A_122, %sub3A_126 : i32
    %mul3A_128 = arith.constant 128 : i32
    %mul3A_129 = arith.muli %select_n3A_127, %mul3A_128 : i32
    %dma_wait3A_130 = arith.constant 0 : i32
    %dma_wait3A_131 = tpu.memref_slice %arg4[%mul3A_129, %dma_wait3A_130] : memref<400000x128xf32, #tpu.memory_space<hbm>> -> memref<128x128xf32, #tpu.memory_space<hbm>>
    %dma_wait3A_132 = arith.constant 0 : i32
    %dma_wait3A_133 = tpu.memref_slice %arg4[%mul3A_129, %dma_wait3A_132] : memref<400000x128xf32, #tpu.memory_space<hbm>> -> memref<128x128xf32, #tpu.memory_space<hbm>>
    tpu.wait_dma2 semaphore(%arg24 : memref<!tpu.dma_semaphore, #tpu.memory_space<semaphore_mem>>) src(%arg9 : memref<128x128xf32, #tpu.memory_space<vmem>>) dst(%dma_wait3A_133 : memref<128x128xf32, #tpu.memory_space<hbm>>)
    %mul3A_134 = arith.constant 98 : i32
    %mul3A_135 = arith.muli %add3A, %mul3A_134 : i32
    %add3A_136 = arith.constant 0 : i32
    %add3A_137 = arith.addi %mul3A_135, %add3A_136 : i32
    %lt3A_138 = arith.constant 3125 : i32
    %lt3A_139 = arith.cmpi slt, %add3A_137, %lt3A_138 : i32
    %sub3A_140 = arith.constant 3125 : i32
    %sub3A_141 = arith.subi %add3A_137, %sub3A_140 : i32
    %select_n3A_142 = arith.select %lt3A_139, %add3A_137, %sub3A_141 : i32
    %mul3A_143 = arith.constant 128 : i32
    %mul3A_144 = arith.muli %select_n3A_142, %mul3A_143 : i32
    %dma_wait3A_145 = arith.constant 0 : i32
    %dma_wait3A_146 = tpu.memref_slice %arg4[%mul3A_144, %dma_wait3A_145] : memref<400000x128xf32, #tpu.memory_space<hbm>> -> memref<128x128xf32, #tpu.memory_space<hbm>>
    %dma_wait3A_147 = arith.constant 0 : i32
    %dma_wait3A_148 = tpu.memref_slice %arg4[%mul3A_144, %dma_wait3A_147] : memref<400000x128xf32, #tpu.memory_space<hbm>> -> memref<128x128xf32, #tpu.memory_space<hbm>>
    tpu.wait_dma2 semaphore(%arg25 : memref<!tpu.dma_semaphore, #tpu.memory_space<semaphore_mem>>) src(%arg10 : memref<128x128xf32, #tpu.memory_space<vmem>>) dst(%dma_wait3A_148 : memref<128x128xf32, #tpu.memory_space<hbm>>)
    %mul3A_149 = arith.constant 98 : i32
    %mul3A_150 = arith.muli %add3A, %mul3A_149 : i32
    %add3A_151 = arith.constant 0 : i32
    %add3A_152 = arith.addi %mul3A_150, %add3A_151 : i32
    %lt3A_153 = arith.constant 3125 : i32
    %lt3A_154 = arith.cmpi slt, %add3A_152, %lt3A_153 : i32
    %sub3A_155 = arith.constant 3125 : i32
    %sub3A_156 = arith.subi %add3A_152, %sub3A_155 : i32
    %select_n3A_157 = arith.select %lt3A_154, %add3A_152, %sub3A_156 : i32
    %mul3A_158 = arith.constant 128 : i32
    %mul3A_159 = arith.muli %select_n3A_157, %mul3A_158 : i32
    %dma_wait3A_160 = arith.constant 0 : i32
    %dma_wait3A_161 = tpu.memref_slice %arg4[%mul3A_159, %dma_wait3A_160] : memref<400000x128xf32, #tpu.memory_space<hbm>> -> memref<128x128xf32, #tpu.memory_space<hbm>>
    %dma_wait3A_162 = arith.constant 0 : i32
    %dma_wait3A_163 = tpu.memref_slice %arg4[%mul3A_159, %dma_wait3A_162] : memref<400000x128xf32, #tpu.memory_space<hbm>> -> memref<128x128xf32, #tpu.memory_space<hbm>>
    tpu.wait_dma2 semaphore(%arg26 : memref<!tpu.dma_semaphore, #tpu.memory_space<semaphore_mem>>) src(%arg11 : memref<128x128xf32, #tpu.memory_space<vmem>>) dst(%dma_wait3A_163 : memref<128x128xf32, #tpu.memory_space<hbm>>)
    %mul3A_164 = arith.constant 98 : i32
    %mul3A_165 = arith.muli %add3A, %mul3A_164 : i32
    %add3A_166 = arith.constant 0 : i32
    %add3A_167 = arith.addi %mul3A_165, %add3A_166 : i32
    %lt3A_168 = arith.constant 3125 : i32
    %lt3A_169 = arith.cmpi slt, %add3A_167, %lt3A_168 : i32
    %sub3A_170 = arith.constant 3125 : i32
    %sub3A_171 = arith.subi %add3A_167, %sub3A_170 : i32
    %select_n3A_172 = arith.select %lt3A_169, %add3A_167, %sub3A_171 : i32
    %mul3A_173 = arith.constant 128 : i32
    %mul3A_174 = arith.muli %select_n3A_172, %mul3A_173 : i32
    %dma_wait3A_175 = arith.constant 0 : i32
    %dma_wait3A_176 = tpu.memref_slice %arg4[%mul3A_174, %dma_wait3A_175] : memref<400000x128xf32, #tpu.memory_space<hbm>> -> memref<128x128xf32, #tpu.memory_space<hbm>>
    %dma_wait3A_177 = arith.constant 0 : i32
    %dma_wait3A_178 = tpu.memref_slice %arg4[%mul3A_174, %dma_wait3A_177] : memref<400000x128xf32, #tpu.memory_space<hbm>> -> memref<128x128xf32, #tpu.memory_space<hbm>>
    tpu.wait_dma2 semaphore(%arg27 : memref<!tpu.dma_semaphore, #tpu.memory_space<semaphore_mem>>) src(%arg12 : memref<128x128xf32, #tpu.memory_space<vmem>>) dst(%dma_wait3A_178 : memref<128x128xf32, #tpu.memory_space<hbm>>)
    return
  }
}

</mosaic_0001>

<sc_bundles>
// kernel: _unpool_gather.3.cloned.1.call-start
scs
__scs_entry_jumppad:
0x0: {  	(pc) =	sbr.rel $0x88, $3  }
0x1: {  	(tag) =	ssettag $0x0;
	lr =	simm.s32 $0x1  }
0x2: {  	[smem:$0x3F9F] =	sst lr;
	_ =	strace $0xD0000000  }
0x3: {  	_ = 	snop  }
0x4: {  	_ = 	snop  }
0x5: {  	_ = 	snop  }
0x6: {  	_ = 	snop  }
0x7: {  	_ = 	snop  }
__scs_overlays_trampoline_lowered:
0x8: {  	[smem:$0x3FAE] =	sst s0  }
0x9: {  	[smem:$0x3FAF] =	sst s1  }
0xa: {  	[smem:$0x3FB0] =	sst s2  }
0xb: {  	[smem:$0x3FB1] =	sst s3  }
0xc: {  	[smem:$0x3FB2] =	sst s4  }
0xd: {  	[smem:$0x3FB3] =	sst s5  }
0xe: {  	[smem:$0x3FB4] =	sst s6  }
0xf: {  	[smem:$0x3FB5] =	sst s7  }
0x10: {  	[smem:$0x3FB6] =	sst s8  }
0x11: {  	[smem:$0x3FB7] =	sst s9;
	s0 =	simm.s32 @!p0 $0x0  }
0x12: {  	s1 =	sld [smem:$0x3F9D];
	s0 =	simm.s32 @p0 $0x1  }
0x13: {  	[smem:$0x3FB8] =	sst s0;
	s0 =	simm.s32 @!p1 $0x0  }
0x14: {  	s2 =	sld [smem:$0x3F9C];
	s0 =	simm.s32 @p1 $0x1  }
0x15: {  	[smem:$0x3FB9] =	sst s0;
	s0 =	simm.s32 @!p2 $0x0  }
0x16: {  	s3 =	sld [smem:$0x3FDB];
	s0 =	simm.s32 @p2 $0x1  }
0x17: {  	s4 =	simm.s32 $0x1BF5;
	[smem:$0x3FBB] =	sst s0  }
0x18: {  	s0 =	sld [smem:$0x3F9E];
	_ =	swait.ge [sflag:s4], $0x0  }
0x19: {  	s7 =	sld [smem:$0x3F9F]  }
0x1a: {  	s8 =	sadd.s32 $0xFFFFE003, lr  }
0x1b: {  	s9 =	sadd.s32 $0xFFFFFEF7, lr;
	s5 =	simm.s32 $0xFFFFFFFF;
	p2 =	slt.u32 s8, $0xFFFFF086  }
0x1c: {  	p1 =	slt.u32 s9, $0xF7A;
	s5 =	simm.s32 @!p2 $0x0  }
0x1d: {  	s5 =	simm.s32 @p1 $0x1;
	p0 =	seq.s32 s7, s2  }
0x1e: {  	s7 =	smul.u32 @!p0 $0xF7A, s2;
	p2 =	seq.s32 @!p0 s5, $0x0  }
0x1f: {  	s9 =	smul.u32 $0xF7A, s1;
	s8 =	simm.s32 @!p0 $0x1BF5;
	p2 =	por !p2, p0  }
0x20: {  	[sflag:s8] =	ssyncset.s32 @!p0 $0xFFFFF086;
	s6 =	sadd.s32 @!p0 s3, s7;
	s7 =	simm.s32 @!p0 $0x108  }
0x21: {  	s3 =	sadd.s32 s3, s9;
	s6 =	sadd.s32 @!p0 $0x88, s6;
	s7 =	simm.s32 @p2 $0x1082  }
0x22: {  	[simem:s7], [sflag:s8] =	dma.local @!p0 [hbm:s6], $0xF7A  }
0x23: {  	s9 =	sor.u32 $0xD0000000, s2;
	s6 =	simm.s32 $0x108;
	_ =	swait.ge @!p0 [sflag:s8], $0x0  }
0x24: {  	s3 =	sadd.s32 $0x88, s3;
	s6 =	simm.s32 @!p1 $0x1082;
	[sflag:s4] =	ssyncset.s32 $0xFFFFF086  }
0x25: {  	[simem:s6], [sflag:s4] =	dma.local [hbm:s3], $0xF7A  }
0x26: {  	[smem:$0x3F9F] =	sst s1;
	(tag) =	ssettag s2;
	_ =	strace s9  }
0x27: {  	s1 =	sld [smem:$0x3FAF]  }
0x28: {  	s2 =	sld [smem:$0x3FB0]  }
0x29: {  	s4 =	sld [smem:$0x3FB2]  }
0x2a: {  	p0 =	seq.s32 s5, $0x0;
	s5 =	sld [smem:$0x3FB3]  }
0x2b: {  	s6 =	sld [smem:$0x3FB4]  }
0x2c: {  	s7 =	sld [smem:$0x3FB5]  }
0x2d: {  	s3 =	simm.s32 $0x108;
	s8 =	sld [smem:$0x3FB6]  }
0x2e: {  	s3 =	simm.s32 @!p0 $0x1082;
	s9 =	sld [smem:$0x3FB7]  }
0x2f: {  	lr =	sadd.s32 s0, s3;
	s0 =	sld [smem:$0x3FAE]  }
0x30: {  	s3 =	sld [smem:$0x3FB1]  }
0x31: {  	[smem:$0x3FBA] =	sst s10  }
0x32: {  	s10 =	sld [smem:$0x3FB8];
	_ =	sdelay $0x3  }
0x33: {  	p0 =	seq.s32 s10, $0x1;
	s10 =	sld [smem:$0x3FBA];
	_ =	sdelay $0x3  }
0x34: {  	[smem:$0x3FBA] =	sst s10  }
0x35: {  	s10 =	sld [smem:$0x3FB9];
	_ =	sdelay $0x3  }
0x36: {  	p1 =	seq.s32 s10, $0x1;
	s10 =	sld [smem:$0x3FBA];
	_ =	sdelay $0x3  }
0x37: {  	[smem:$0x3FBA] =	sst s10  }
0x38: {  	s10 =	sld [smem:$0x3FBB]  }
0x39: {  	_ = 	snop;
	(pc) =	sbr.ind lr, $3  }
0x3a: {  	_ = 	snop  }
0x3b: {  	_ = 	snop  }
0x3c: {  	p2 =	seq.s32 s10, $0x1;
	s10 =	sld [smem:$0x3FBA]  }
0x3d: {  	_ =	shalt  }
0x3e: {  	_ =	shalt  }
0x3f: {  	_ =	shalt  }
0x40: {  	_ =	shalt  }
0x41: {  	_ =	shalt  }
0x42: {  	_ =	shalt  }
0x43: {  	_ =	shalt  }
0x44: {  	_ =	shalt  }
0x45: {  	_ =	shalt  }
0x46: {  	_ =	shalt  }
0x47: {  	_ =	shalt  }
0x48: {  	_ =	shalt  }
0x49: {  	_ =	shalt  }
0x4a: {  	_ =	shalt  }
0x4b: {  	_ =	shalt  }
0x4c: {  	_ =	shalt  }
0x4d: {  	_ =	shalt  }
0x4e: {  	_ =	shalt  }
0x4f: {  	_ =	shalt  }
0x50: {  	_ =	shalt  }
0x51: {  	_ =	shalt  }
0x52: {  	_ =	shalt  }
0x53: {  	_ =	shalt  }
0x54: {  	_ =	shalt  }
0x55: {  	_ =	shalt  }
0x56: {  	_ =	shalt  }
0x57: {  	_ =	shalt  }
0x58: {  	_ =	shalt  }
0x59: {  	_ =	shalt  }
0x5a: {  	_ =	shalt  }
0x5b: {  	_ =	shalt  }
0x5c: {  	_ =	shalt  }
0x5d: {  	_ =	shalt  }
0x5e: {  	_ =	shalt  }
0x5f: {  	_ =	shalt  }
0x60: {  	_ =	shalt  }
0x61: {  	_ =	shalt  }
0x62: {  	_ =	shalt  }
0x63: {  	_ =	shalt  }
0x64: {  	_ =	shalt  }
0x65: {  	_ =	shalt  }
0x66: {  	_ =	shalt  }
0x67: {  	_ =	shalt  }
0x68: {  	_ =	shalt  }
0x69: {  	_ =	shalt  }
0x6a: {  	_ =	shalt  }
0x6b: {  	_ =	shalt  }
0x6c: {  	_ =	shalt  }
0x6d: {  	_ =	shalt  }
0x6e: {  	_ =	shalt  }
0x6f: {  	_ =	shalt  }
0x70: {  	_ =	shalt  }
0x71: {  	_ =	shalt  }
0x72: {  	_ =	shalt  }
0x73: {  	_ =	shalt  }
0x74: {  	_ =	shalt  }
0x75: {  	_ =	shalt  }
0x76: {  	_ =	shalt  }
0x77: {  	_ =	shalt  }
0x78: {  	_ =	shalt  }
0x79: {  	_ =	shalt  }
0x7a: {  	_ =	shalt  }
0x7b: {  	_ =	shalt  }
0x7c: {  	_ =	shalt  }
0x7d: {  	_ =	shalt  }
0x7e: {  	_ =	shalt  }
0x7f: {  	_ =	shalt  }
0x80: {  	_ =	shalt  }
0x81: {  	_ =	shalt  }
0x82: {  	_ =	shalt  }
0x83: {  	_ =	shalt  }
0x84: {  	_ =	shalt  }
0x85: {  	_ =	shalt  }
0x86: {  	_ =	shalt  }
0x87: {  	_ =	shalt  }
.Lfunc_end0:
.L_simem_size_0:
called_computation_lowered:
.L_overlay_start_0:
0x88: {  	s2 =	sld [smem:$0x3FD9]  }
0x89: {  	s3 =	sld [smem:$0x3FFE];
	_ =	sdelay $0x1  }
0x8a: {  	s1 =	srdreg.scid  }
0x8b: {  	s0 =	sand.u32 $0x1, s1  }
0x8c: {  	s18 =	sshll.u32 s0, $0xA;
	s2 =	sadd.s32 s3, s2  }
0x8d: {  	s2 =	sadd.s32 s2, s18  }
0x8e: {  	[smem:$0x3FC6] =	sst s2  }
0x8f: {  	_ = 	snop  }
0x90: {  	s2 =	sld [smem:$0x3FC9]  }
0x91: {  	s19 =	sld [smem:$0x3FC8]  }
0x92: {  	s4 =	sld [smem:$0x3FD0];
	(tm) =	ssettm $0x1  }
0x93: {  	s5 =	sld [smem:$0x3FFB];
	_ =	sdelay $0x3  }
0x94: {  	_ =	strace s5  }
0x95: {  	s5 =	sld [smem:$0x3FFC];
	_ =	sdelay $0x3  }
0x96: {  	_ =	strace s5  }
0x97: {  	s5 =	sld [smem:$0x3FFD];
	_ =	sdelay $0x3  }
0x98: {  	_ =	strace s5  }
0x99: {  	_ =	strace $0x8FFFFFFF  }
0x9a: {  	s20 =	sld [smem:$0x3FDB];
	_ =	sdelay $0x1  }
0x9b: {  	s6 =	simm.s32 $_scs_section_size  }
0x9c: {  	s7 =	simm.s32 $_size__tile_overlayer_lowered;
	s8 =	simm.s32 $_tile_overlayer_lowered  }
0x9d: {  	s23 =	simm.s32 $0x1BFF;
	s22 =	sshll.u32 s8, $0x1;
	s5 =	sadd.s32 s6, s20  }
0x9e: {  	s9 =	simm.s32 $0x0;
	s21 =	sshll.u32 s7, $0x1;
	s7 =	sadd.s32 s22, s5  }
0x9f: {  	[timem:s9], [sflag:s23] =	dma.local [hbm:s7], s21  }
0xa0: {  	_ =	swait.ge [sflag:s23], s21  }
0xa1: {  	s6 =	ssub.s32 $0x0, s21;
	[sflag:s23] =	ssyncset.done $0x0  }
0xa2: {  	[sflag:s23] =	ssyncadd.s32 s6;
	_ =	sdelay $0x1  }
0xa3: {  	s24 =	simm.s32 $0x1B8B  }
0xa4: {  	_ =	swait.ge [sflag:s24], $0x1  }
0xa5: {  	[sflag:s24] =	ssyncset.done $0x0  }
0xa6: {  	s25 =	simm.s32 $0x1B8E;
	[sflag:s24] =	ssyncadd.s32 $0xFFFFFFFF  }
0xa7: {  	s26 =	simm.s32 $execute0_lowered;
	[smem:$0x3FD2] =	sst s25  }
0xa8: {  	s6 =	sshll.u32 s26, $0x1;
	_ =	strace $0x80000046;
	[dreg:$0x1] =	wrdreg $0xFFFFFFFF  }
0xa9: {  	s28 =	simm.s32 $_size_execute0_lowered;
	s5 =	sadd.s32 s5, s6;
	[dreg:$0x0] =	wrdreg $0x0  }
0xaa: {  	s6 =	sshll.u32 s28, $0x1;
	[dreg:$0x2] =	wrdreg s5  }
0xab: {  	[dreg:$0x3] =	wrdreg s6  }
0xac: {  	[dreg:$0x4] =	wrdreg $0xC0  }
0xad: {  	_ =	task [dreg:s9], $0x5FFFF  }
0xae: {  	[dreg:$0x1] =	wrdreg $0xFFFFFFFF  }
0xaf: {  	[dreg:$0x0] =	wrdreg $0x60  }
0xb0: {  	[dreg:$0x2] =	wrdreg s2  }
0xb1: {  	[dreg:$0x3] =	wrdreg s19  }
0xb2: {  	[dreg:$0x4] =	wrdreg s4  }
0xb3: {  	[dreg:$0x5] =	wrdreg $0x9  }
0xb4: {  	_ =	task.clear_ibuf [dreg:s9], $0x6FFFF;
	_ =	strace $0x90000046  }
0xb5: {  	s29 =	simm.s32 $0x9;
	_ =	strace $0x80000048  }
0xb6: {  	_ =	swait.ge [sflag:s29], $0x1  }
0xb7: {  	[sflag:s29] =	ssyncadd.s32 $0xFFFFFFFF  }
0xb8: {  	_ =	strace $0x90000048  }
0xb9: {  	_ =	sfence  }
0xba: {  	s30 =	sld [smem:$0x0];
	_ =	sdelay $0x2  }
0xbb: {  	s31 =	sshll.u32 s1, $0xD;
	s1 =	sshrl.u32 s1, $0x2  }
0xbc: {  	s3 =	sand.u32 $0x4000, s31;
	s1 =	sadd.s32 s1, s30  }
0xbd: {  	s0 =	sor.u32 s3, s0;
	s1 =	sshll.u32 s1, $0x11  }
0xbe: {  	s0 =	sor.u32 s1, s0  }
0xbf: {  	s0 =	sadd.s32 $0x8F2B, s0  }
0xc0: {  	[sflag:s0] =	ssyncadd.remote.s32 $0x1  }
0xc1: {  	_ =	sfence.sel $0xFFFF  }
0xc2: {  	[dreg:$0x0] =	wrdreg $0xFFFFFFFF;
	(pc) =	sbr.abs _section_cstart, $3  }
0xc3: {  	[dreg:$0x1] =	wrdreg $0xFFFFFFFF  }
0xc4: {  	_ =	task.clear_ibuf [dreg:s9], $0x2FFFF;
	_ =	strace $0x9FFFFFFF  }
0xc5: {  	(tm) =	ssettm $0x7FFFFFFF  }
tec
execute0_lowered:
.L_overlay_start_1:
0x0: {  	(tag) =	ssettag $0x1  }
0x1: {  	s1 =	rddreg [dreg:$0x0]  }
0x2: {  	s0 =	srdreg.scid;
	s2 =	rddreg [dreg:$0x1]  }
0x3: {  	s10 =	stileid.u32;
	s3 =	rddreg [dreg:$0x2];
	s9 =	simm.s32 $0x3F42B  }
0x4: {  	s15 =	simm.s32 $0x80;
	s28 =	simm.s32 $0x3100;
	s17 =	simm.s32 $0x2  }
0x5: {  	s19 =	simm.s32 $0x3;
	s29 =	simm.s32 $0x7100;
	s16 =	simm.s32 $0x13100  }
0x6: {  	s21 =	simm.s32 $0x4;
	s30 =	simm.s32 $0xC000;
	s23 =	smul.u32 $0x310000, s10  }
0x7: {  	s0 =	sand.u32 $0x1, s0;
	s4 =	sshll.u32 s10, $0x1;
	s10 =	smul.u32 $0xC4, s10  }
0x8: {  	s20 =	simm.s32 $0x1B100;
	s5 =	sor.u32 s0, s4;
	s25 =	smul.u32 $0x188000, s0  }
0x9: {  	s4 =	simm.s32 $0x0;
	s7 =	ssub.s32 $0x2, s0;
	s0 =	smul.u32 $0x62, s0  }
0xa: {  	s31 =	simm.s32 $0x10000;
	s6 =	smul.u32 $0x3100, s5;
	[smem:$0x7FF] =	sst s4  }
0xb: {  	s8 =	sshrl.u32 s7, $0x1;
	p0 =	seq.s32 s5, $0x1F;
	_ =	strace $0x80000047  }
0xc: {  	s7 =	ssub.s32 s7, s8;
	s9 =	simm.s32 @!p0 $0x60;
	[dreg:$0x4] =	wrdreg s28  }
0xd: {  	s11 =	sadd.s32 s25, s23;
	[dreg:$0x5] =	wrdreg s29;
	s6 =	sshrl.u32 s6, $0x3  }
0xe: {  	[dreg:$0x6] =	wrdreg s30;
	s8 =	sadd.s32 $0x570, s6;
	s6 =	sadd.s32 s2, s6  }
0xf: {  	s12 =	sadd.s32 s0, s10;
	[dreg:$0x8] =	wrdreg s6;
	s6 =	smul.u32 $0x62, s5  }
0x10: {  	[dreg:$0x7] =	wrdreg s31;
	s26 =	smax.u32 s7, $0x1;
	s5 =	simm.s32 $0x3F42C  }
0x11: {  	s8 =	simm.s32 @p0 $0x0;
	s5 =	simm.s32 @!p0 $0x61;
	s24 =	sadd.s32 s6, s9  }
0x12: {  	s2 =	sadd.s32 s2, s8;
	s5 =	sadd.s32 s6, s5;
	s8 =	sshll.u32 s24, $0xB  }
0x13: {  	[dreg:$0xc] =	wrdreg s26;
	s5 =	sshll.u32 s5, $0xB;
	s8 =	sand.u32 $0x1FFFF800, s8  }
0x14: {  	[dreg:$0x9] =	wrdreg s2;
	s5 =	sand.u32 $0x1FFFF800, s5;
	s8 =	sadd.s32 s3, s8  }
0x15: {  	s23 =	simm.s32 $0x5;
	s5 =	sadd.s32 s3, s5;
	[dreg:$0xa] =	wrdreg s8  }
0x16: {  	s25 =	simm.s32 $0x6;
	[dreg:$0xb] =	wrdreg s5;
	s5 =	simm.s32 $0x0  }
.LBB2_1:
0x17: {  	[dreg:$0xd] =	wrdreg s5  }
0x18: {  	s0 =	rddreg [dreg:$0x8]  }
0x19: {  	s14 =	rddreg [dreg:$0x9]  }
0x1a: {  	[tilespmem:s4], [sflag:$0x1] =	stream.linear.gather [hbm4b:s0+s4], $0x2B80, $0x38;
	[tilespmem:$0x1F100] =	vst v63  }
0x1b: {  	s2 =	simm.s32 $0x2B80;
	s18 =	simm.s32 $0x1;
	p0 =	por $0x0, $0x0  }
0x1c: {  	[tilespmem:s2], [sflag:$0x1] =	stream.linear.gather [hbm4b:s14+s4], $0x580, $0x38;
	[tilespmem:$0x1F100] =	vst v63  }
0x1d: {  	p0 =	por p0, p0;
	_ =	swait.ge [sflag:s18], $0x2B80  }
0x1e: {  	s0 =	sadd.s32 @p0 $0x0, s12;
	[sflag:s18] =	ssyncset.done $0x0  }
0x1f: {  	s5 =	sadd.s32 @p0 $0x0, s11;
	s8 =	simm.s32 @p0 $0x7;
	[sflag:s18] =	ssyncadd.s32 $0xFFFFD480  }
0x20: {  	s9 =	simm.s32 @p0 $0x80;
	s2 =	sadd.s32 @p0 $0xFFFFFFFE, s0;
	_ =	swait.ge [sflag:s18], $0x580  }
0x21: {  	s0 =	sadd.s32 @p0 $0xFFFFFFFF, s0;
	p1 =	slt.s32 @p0 s2, $0xC35;
	[sflag:s18] =	ssyncset.done $0x0  }
0x22: {  	p2 =	slt.s32 @p0 s0, $0xC35;
	s2 =	simm.s32 @p0 $0x9;
	[sflag:s18] =	ssyncadd.s32 $0xFFFFFA80  }
0x23: {  	s0 =	simm.s32 @p0 $0xFFFF8000;
	p1 =	por !p1, !p0;
	_ =	swait.ge @p0 [sflag:s2], $0x4000  }
0x24: {  	s10 =	simm.s32 @p0 $0x17100;
	s0 =	simm.s32 @p1 $0xFCF24000;
	[sflag:s2] =	ssyncset.done @p0 $0x0  }
0x25: {  	s0 =	sadd.s32 @p0 s0, s5;
	[sflag:s2] =	ssyncadd.s32 @p0 $0xFFFFC000;
	s2 =	simm.s32 @p0 $0x3100  }
0x26: {  	[tilespmem:s2], [sflag:$0x2] =	stream.indirect.gather @p0 [hbm4b:s1+s9], $0x80, s4, s9, $0xb8;
	[tilespmem:$0x1F100] =	vst v63  }
0x27: {  	s13 =	simm.s32 @p0 $0x0;
	s0 =	sshrl.u32 @p0 s0, $0x3;
	_ =	swait.ge @p0 [sflag:s8], $0x4000  }
0x28: {  	p1 =	por !p2, !p0;
	s0 =	sadd.s32 @p0 s3, s0;
	[sflag:s8] =	ssyncset.done @p0 $0x0  }
0x29: {  	s2 =	simm.s32 @p0 $0xFFFFC000;
	[sflag:s8] =	ssyncadd.s32 @p0 $0xFFFFC000;
	s8 =	simm.s32 @p0 $0xA  }
0x2a: {  	[hbm4b:s0+s13] =	stream.linear.scatter @p0 [tilespmem:s10], [sflag:$0xE], $0x4000, $0x38;
	[tilespmem:$0x1F100] =	vst v63  }
0x2b: {  	s2 =	simm.s32 @p1 $0xFCF28000;
	_ =	swait.ge @p0 [sflag:s8], $0x4000  }
0x2c: {  	s0 =	sadd.s32 @p0 s2, s5;
	s2 =	simm.s32 @p0 $0x8;
	[sflag:s8] =	ssyncset.done @p0 $0x0  }
0x2d: {  	s5 =	simm.s32 @p0 $0x7100;
	[sflag:s8] =	ssyncadd.s32 @p0 $0xFFFFC000;
	s8 =	simm.s32 @p0 $0x80  }
0x2e: {  	[tilespmem:s5], [sflag:$0x3] =	stream.indirect.gather @p0 [hbm4b:s1+s9], $0x80, s8, s9, $0xb8;
	[tilespmem:$0x1F100] =	vst v63  }
0x2f: {  	s0 =	sshrl.u32 @p0 s0, $0x3;
	_ =	swait.ge @p0 [sflag:s2], $0x4000  }
0x30: {  	s0 =	sadd.s32 @p0 s3, s0;
	[sflag:s2] =	ssyncset.done @p0 $0x0  }
0x31: {  	s5 =	simm.s32 @p0 $0xB;
	[sflag:s2] =	ssyncadd.s32 @p0 $0xFFFFC000;
	s2 =	simm.s32 @p0 $0x1B100  }
0x32: {  	[hbm4b:s0+s13] =	stream.linear.scatter @p0 [tilespmem:s2], [sflag:$0xF], $0x4000, $0x38;
	[tilespmem:$0x1F100] =	vst v63  }
0x33: {  	s8 =	simm.s32 @!p0 $0x80;
	_ =	swait.ge @p0 [sflag:s5], $0x4000  }
0x34: {  	s9 =	simm.s32 @!p0 $0x3100;
	s2 =	simm.s32 @p0 $0x2;
	[sflag:s5] =	ssyncset.done @p0 $0x0  }
0x35: {  	s0 =	simm.s32 @!p0 $0x0;
	s2 =	simm.s32 @!p0 $0x2;
	[sflag:s5] =	ssyncadd.s32 @p0 $0xFFFFC000  }
0x36: {  	[tilespmem:s9], [sflag:$0x2] =	stream.indirect.gather @!p0 [hbm4b:s1+s8], $0x80, s0, s8, $0xb8;
	[tilespmem:$0x1F100] =	vst v63  }
0x37: {  	s26 =	sadd.s32 $0x0, s11;
	s22 =	sshll.u32 s2, $0x7;
	s0 =	simm.s32 @!p0 $0x7100  }
0x38: {  	[tilespmem:s0], [sflag:$0x3] =	stream.indirect.gather @!p0 [hbm4b:s1+s8], $0x80, s8, s8, $0xb8;
	[tilespmem:$0x1F100] =	vst v63  }
0x39: {  	s7 =	simm.s32 $0xB100;
	s5 =	sand.u32 $0x3FFFFF80, s22;
	s0 =	sadd.s32 $0x0, s12  }
0x3a: {  	[tilespmem:s7], [sflag:$0x4] =	stream.indirect.gather [hbm4b:s1+s15], $0x80, s5, s15, $0xb8;
	[tilespmem:$0x1F100] =	vst v63  }
0x3b: {  	p1 =	slt.u32 s0, $0xC35;
	s5 =	sadd.s32 $0xFCF2C000, s26  }
0x3c: {  	_ =	swait.ge [sflag:s17], $0x4000;
	s5 =	smov.u32 @p1 s26  }
0x3d: {  	p1 =	por $0x1, $0x1;
	s5 =	sshrl.u32 s5, $0x3;
	[sflag:s17] =	ssyncset.done $0x0  }
0x3e: {  	s24 =	rddreg [dreg:$0x4];
	[sflag:s17] =	ssyncadd.s32 $0xFFFFC000;
	s5 =	sadd.s32 s3, s5  }
0x3f: {  	[hbm4b:s5+s4] =	stream.linear.scatter [tilespmem:s24], [sflag:$0x9], $0x4000, $0x38;
	[tilespmem:$0x1F100] =	vst v63  }
0x40: {  	s8 =	simm.s32 @!p1 $0xC;
	s5 =	simm.s32 @p0 $0x1  }
0x41: {  	s5 =	simm.s32 @!p0 $0x1;
	_ =	swait.ge @!p1 [sflag:s8], $0x4000  }
0x42: {  	s30 =	simm.s32 $0x180;
	s5 =	sadd.s32 s6, s5;
	[sflag:s8] =	ssyncset.done @!p1 $0x0  }
0x43: {  	s14 =	simm.s32 $0xF100;
	s9 =	sshll.u32 s5, $0xE;
	[sflag:s8] =	ssyncadd.s32 @!p1 $0xFFFFC000  }
0x44: {  	[tilespmem:s14], [sflag:$0x5] =	stream.indirect.gather [hbm4b:s1+s15], $0x80, s30, s15, $0xb8;
	[tilespmem:$0x1F100] =	vst v63  }
0x45: {  	p0 =	slt.u32 s5, $0xC35;
	s5 =	sadd.s32 $0xFCF2C000, s9  }
0x46: {  	_ =	swait.ge [sflag:s19], $0x4000;
	s5 =	smov.u32 @p0 s9  }
0x47: {  	s9 =	simm.s32 @!p1 $0xD;
	s5 =	sshrl.u32 s5, $0x3;
	[sflag:s19] =	ssyncset.done $0x0  }
0x48: {  	s10 =	rddreg [dreg:$0x5];
	[sflag:s19] =	ssyncadd.s32 $0xFFFFC000;
	s5 =	sadd.s32 s3, s5  }
0x49: {  	[hbm4b:s5+s4] =	stream.linear.scatter [tilespmem:s10], [sflag:$0xA], $0x4000, $0x38;
	[tilespmem:$0x1F100] =	vst v63  }
0x4a: {  	s2 =	sadd.s32 s6, s2;
	_ =	swait.ge @!p1 [sflag:s9], $0x4000  }
0x4b: {  	s13 =	simm.s32 $0x200;
	s5 =	sshll.u32 s2, $0xE;
	[sflag:s9] =	ssyncset.done @!p1 $0x0  }
0x4c: {  	p0 =	slt.u32 s2, $0xC35;
	s2 =	sadd.s32 $0xFCF2C000, s5;
	[sflag:s9] =	ssyncadd.s32 @!p1 $0xFFFFC000  }
0x4d: {  	[tilespmem:s16], [sflag:$0x6] =	stream.indirect.gather [hbm4b:s1+s15], $0x80, s13, s15, $0xb8;
	[tilespmem:$0x1F100] =	vst v63  }
0x4e: {  	s2 =	smov.u32 @p0 s5;
	_ =	swait.ge [sflag:s21], $0x4000  }
0x4f: {  	s2 =	sshrl.u32 s2, $0x3;
	[sflag:s21] =	ssyncset.done $0x0  }
0x50: {  	s5 =	simm.s32 @!p1 $0xE;
	s2 =	sadd.s32 s3, s2;
	[sflag:s21] =	ssyncadd.s32 $0xFFFFC000  }
0x51: {  	[hbm4b:s2+s4] =	stream.linear.scatter [tilespmem:s7], [sflag:$0xB], $0x4000, $0x38;
	[tilespmem:$0x1F100] =	vst v63  }
0x52: {  	_ =	swait.ge @!p1 [sflag:s5], $0x4000  }
0x53: {  	p6 =	por $0x1, $0x1;
	[sflag:s5] =	ssyncset.done @!p1 $0x0  }
0x54: {  	s18 =	simm.s32 $0x280;
	s22 =	simm.s32 $0x17100;
	[sflag:s5] =	ssyncadd.s32 @!p1 $0xFFFFC000  }
0x55: {  	[tilespmem:s22], [sflag:$0x7] =	stream.indirect.gather [hbm4b:s1+s15], $0x80, s18, s15, $0xb8;
	[tilespmem:$0x1F100] =	vst v63  }
0x56: {  	s28 =	simm.s32 $0x38000;
	s24 =	sadd.s32 $0x3, s0;
	_ =	swait.ge [sflag:s23], $0x4000  }
0x57: {  	s0 =	sadd.s32 $0x4, s0;
	p2 =	slt.u32 s24, $0xC35;
	s2 =	rddreg [dreg:$0x6]  }
0x58: {  	p3 =	slt.u32 s0, $0xC35;
	s8 =	simm.s32 $0x380;
	s2 =	simm.s32 @!p2 $0xFCF38000  }
0x59: {  	s10 =	simm.s32 $0x7;
	p0 =	por p6, p6;
	s2 =	sadd.s32 s2, s26  }
0x5a: {  	s9 =	simm.s32 $0x1C000;
	[sflag:s23] =	ssyncset.done $0x0;
	s2 =	sshrl.u32 s2, $0x3  }
0x5b: {  	[sflag:s23] =	ssyncadd.s32 $0xFFFFC000;
	s30 =	sadd.s32 s3, s2;
	s2 =	simm.s32 @!p1 $0xF  }
0x5c: {  	[hbm4b:s30+s4] =	stream.linear.scatter [tilespmem:s14], [sflag:$0xC], $0x4000, $0x38;
	[tilespmem:$0x1F100] =	vst v63  }
0x5d: {  	s29 =	simm.s32 @p0 $0x9;
	s31 =	simm.s32 @!p0 $0x7100;
	_ =	swait.ge @!p1 [sflag:s2], $0x4000  }
0x5e: {  	s13 =	sadd.s32 @p0 $0x1C000, s11;
	s5 =	simm.s32 $0x300;
	[sflag:s2] =	ssyncset.done @!p1 $0x0  }
.LBB2_2:
0x5f: {  	s14 =	sadd.s32 @p0 s10, s12;
	s0 =	simm.s32 @!p0 $0x0  }
0x60: {  	[sflag:s2] =	ssyncadd.s32 @!p1 $0xFFFFC000;
	s7 =	simm.s32 @p0 $0xFFFF8000;
	s22 =	simm.s32 @p0 $0xFFFFC000  }
0x61: {  	s24 =	simm.s32 @p0 $0x17100;
	s16 =	simm.s32 @p0 $0x0;
	s29 =	simm.s32 @!p0 $0x2  }
0x62: {  	[tilespmem:s20], [sflag:$0x8] =	stream.indirect.gather [hbm4b:s1+s15], $0x80, s5, s15, $0xb8;
	[tilespmem:$0x1F100] =	vst v63  }
0x63: {  	s5 =	sadd.s32 @p0 $0xFFFFFFFE, s14;
	s14 =	sadd.s32 @p0 $0xFFFFFFFF, s14;
	_ =	swait.ge [sflag:s25], $0x4000  }
0x64: {  	s20 =	simm.s32 $0x13100;
	p1 =	slt.s32 @p0 s5, $0xC35;
	s5 =	rddreg [dreg:$0x7]  }
0x65: {  	p2 =	slt.s32 @p0 s14, $0xC35;
	s14 =	simm.s32 @p0 $0x7;
	s5 =	simm.s32 @!p3 $0xFCF3C000  }
0x66: {  	p1 =	por !p1, !p0;
	[sflag:s25] =	ssyncset.done $0x0;
	s5 =	sadd.s32 s5, s26  }
0x67: {  	p2 =	por !p2, !p0;
	[sflag:s25] =	ssyncadd.s32 $0xFFFFC000;
	s5 =	sshrl.u32 s5, $0x3  }
0x68: {  	s7 =	simm.s32 @p1 $0xFCF24000;
	s26 =	simm.s32 @p0 $0x9;
	s5 =	sadd.s32 s3, s5  }
0x69: {  	[hbm4b:s5+s4] =	stream.linear.scatter [tilespmem:s20], [sflag:$0xD], $0x4000, $0x38;
	[tilespmem:$0x1F100] =	vst v63  }
0x6a: {  	s22 =	simm.s32 @p2 $0xFCF28000;
	s7 =	sadd.s32 @p0 s7, s13;
	_ =	swait.ge @p0 [sflag:s26], $0x4000  }
0x6b: {  	s13 =	sadd.s32 @p0 s22, s13;
	s22 =	simm.s32 @p0 $0x3100;
	[sflag:s26] =	ssyncset.done @p0 $0x0  }
0x6c: {  	s7 =	sshrl.u32 @p0 s7, $0x3;
	s5 =	simm.s32 @p0 $0x80;
	[sflag:s26] =	ssyncadd.s32 @p0 $0xFFFFC000  }
0x6d: {  	[tilespmem:s22], [sflag:$0x2] =	stream.indirect.gather @p0 [hbm4b:s1+s5], $0x80, s8, s5, $0xb8;
	[tilespmem:$0x1F100] =	vst v63  }
0x6e: {  	s13 =	sshrl.u32 @p0 s13, $0x3;
	s7 =	sadd.s32 @p0 s3, s7;
	_ =	swait.ge @p0 [sflag:s14], $0x4000  }
0x6f: {  	s26 =	simm.s32 @p0 $0x8;
	s22 =	sadd.s32 @p0 s3, s13;
	[sflag:s14] =	ssyncset.done @p0 $0x0  }
0x70: {  	s13 =	simm.s32 @p0 $0xA;
	[sflag:s14] =	ssyncadd.s32 @p0 $0xFFFFC000;
	s14 =	simm.s32 @p0 $0x7100  }
0x71: {  	[hbm4b:s7+s16] =	stream.linear.scatter @p0 [tilespmem:s24], [sflag:$0xE], $0x4000, $0x38;
	[tilespmem:$0x1F100] =	vst v63  }
0x72: {  	s7 =	sadd.s32 @p0 $0x1, s10;
	s24 =	sadd.s32 s6, s29;
	_ =	swait.ge @p0 [sflag:s13], $0x4000  }
0x73: {  	s7 =	simm.s32 @!p0 $0x1;
	s18 =	sshll.u32 s24, $0xE;
	[sflag:s13] =	ssyncset.done @p0 $0x0  }
0x74: {  	p2 =	slt.u32 s24, $0xC35;
	[sflag:s13] =	ssyncadd.s32 @p0 $0xFFFFC000;
	s13 =	sadd.s32 @p0 $0x80, s8  }
0x75: {  	[tilespmem:s14], [sflag:$0x3] =	stream.indirect.gather @p0 [hbm4b:s1+s5], $0x80, s13, s5, $0xb8;
	[tilespmem:$0x1F100] =	vst v63  }
0x76: {  	s24 =	sshll.u32 s29, $0x7;
	s5 =	sadd.s32 s6, s7;
	_ =	swait.ge @p0 [sflag:s26], $0x4000  }
0x77: {  	s13 =	sadd.s32 $0xFCF2C000, s18;
	s7 =	simm.s32 @p0 $0xB;
	[sflag:s26] =	ssyncset.done @p0 $0x0  }
0x78: {  	s14 =	simm.s32 @p0 $0x1B100;
	s13 =	smov.u32 @p2 s18;
	[sflag:s26] =	ssyncadd.s32 @p0 $0xFFFFC000  }
0x79: {  	[hbm4b:s22+s16] =	stream.linear.scatter @p0 [tilespmem:s14], [sflag:$0xF], $0x4000, $0x38;
	[tilespmem:$0x1F100] =	vst v63  }
0x7a: {  	s18 =	simm.s32 @!p0 $0x80;
	p2 =	slt.u32 s5, $0xC35;
	_ =	swait.ge @p0 [sflag:s7], $0x4000  }
0x7b: {  	s26 =	sadd.s32 s9, s11;
	s14 =	sshll.u32 s5, $0xE;
	[sflag:s7] =	ssyncset.done @p0 $0x0  }
0x7c: {  	s16 =	simm.s32 @!p0 $0x3100;
	s5 =	sadd.s32 $0xFCF2C000, s14;
	[sflag:s7] =	ssyncadd.s32 @p0 $0xFFFFC000  }
0x7d: {  	[tilespmem:s16], [sflag:$0x2] =	stream.indirect.gather @!p0 [hbm4b:s1+s18], $0x80, s0, s18, $0xb8;
	[tilespmem:$0x1F100] =	vst v63  }
0x7e: {  	s22 =	sand.u32 $0x3FFFFF80, s24;
	s24 =	sadd.s32 s10, s12;
	s5 =	smov.u32 @p2 s14  }
0x7f: {  	[tilespmem:s31], [sflag:$0x3] =	stream.indirect.gather @!p0 [hbm4b:s1+s18], $0x80, s18, s18, $0xb8;
	[tilespmem:$0x1F100] =	vst v63  }
0x80: {  	s14 =	sadd.s32 $0xFCF2C000, s26;
	s16 =	simm.s32 $0xB100;
	p0 =	slt.u32 s24, $0xC35  }
0x81: {  	[tilespmem:s16], [sflag:$0x4] =	stream.indirect.gather [hbm4b:s1+s15], $0x80, s22, s15, $0xb8;
	[tilespmem:$0x1F100] =	vst v63  }
0x82: {  	s14 =	smov.u32 @p0 s26;
	_ =	swait.ge [sflag:s17], $0x4000  }
0x83: {  	p1 =	seq.s32 s9, $0x0;
	s14 =	sshrl.u32 s14, $0x3;
	[sflag:s17] =	ssyncset.done $0x0  }
0x84: {  	s7 =	sadd.s32 s3, s14;
	s18 =	rddreg [dreg:$0x4];
	[sflag:s17] =	ssyncadd.s32 $0xFFFFC000  }
0x85: {  	[hbm4b:s7+s4] =	stream.linear.scatter [tilespmem:s18], [sflag:$0x9], $0x4000, $0x38;
	[tilespmem:$0x1F100] =	vst v63  }
0x86: {  	s7 =	simm.s32 @!p1 $0xC  }
0x87: {  	_ =	swait.ge @!p1 [sflag:s7], $0x4000  }
0x88: {  	[sflag:s7] =	ssyncset.done @!p1 $0x0  }
0x89: {  	s22 =	sadd.s32 $0x180, s8;
	s14 =	simm.s32 $0xF100;
	[sflag:s7] =	ssyncadd.s32 @!p1 $0xFFFFC000  }
0x8a: {  	[tilespmem:s14], [sflag:$0x5] =	stream.indirect.gather [hbm4b:s1+s15], $0x80, s22, s15, $0xb8;
	[tilespmem:$0x1F100] =	vst v63  }
0x8b: {  	s29 =	sadd.s32 $0x3, s24;
	s5 =	sshrl.u32 s5, $0x3;
	_ =	swait.ge [sflag:s19], $0x4000  }
0x8c: {  	s0 =	sadd.s32 $0x4, s24;
	s5 =	sadd.s32 s3, s5;
	[sflag:s19] =	ssyncset.done $0x0  }
0x8d: {  	s7 =	simm.s32 @!p1 $0xD;
	s24 =	rddreg [dreg:$0x5];
	[sflag:s19] =	ssyncadd.s32 $0xFFFFC000  }
0x8e: {  	[hbm4b:s5+s4] =	stream.linear.scatter [tilespmem:s24], [sflag:$0xA], $0x4000, $0x38;
	[tilespmem:$0x1F100] =	vst v63  }
0x8f: {  	_ =	swait.ge @!p1 [sflag:s7], $0x4000  }
0x90: {  	[sflag:s7] =	ssyncset.done @!p1 $0x0  }
0x91: {  	s5 =	sadd.s32 $0x200, s8;
	[sflag:s7] =	ssyncadd.s32 @!p1 $0xFFFFC000  }
0x92: {  	[tilespmem:s20], [sflag:$0x6] =	stream.indirect.gather [hbm4b:s1+s15], $0x80, s5, s15, $0xb8;
	[tilespmem:$0x1F100] =	vst v63  }
0x93: {  	_ =	swait.ge [sflag:s21], $0x4000  }
0x94: {  	s13 =	sshrl.u32 s13, $0x3;
	[sflag:s21] =	ssyncset.done $0x0  }
0x95: {  	s18 =	sadd.s32 s3, s13;
	s5 =	simm.s32 @!p1 $0xE;
	[sflag:s21] =	ssyncadd.s32 $0xFFFFC000  }
0x96: {  	[hbm4b:s18+s4] =	stream.linear.scatter [tilespmem:s16], [sflag:$0xB], $0x4000, $0x38;
	[tilespmem:$0x1F100] =	vst v63  }
0x97: {  	s2 =	smov.u32 s28;
	s30 =	smov.u32 s8;
	_ =	swait.ge @!p1 [sflag:s5], $0x4000  }
0x98: {  	p6 =	sne.s32 s28, $0x0;
	s28 =	sadd.s32 $0x1C000, s28;
	[sflag:s5] =	ssyncset.done @!p1 $0x0  }
0x99: {  	s22 =	sadd.s32 $0x280, s8;
	s24 =	simm.s32 $0x17100;
	[sflag:s5] =	ssyncadd.s32 @!p1 $0xFFFFC000  }
0x9a: {  	[tilespmem:s24], [sflag:$0x7] =	stream.indirect.gather [hbm4b:s1+s15], $0x80, s22, s15, $0xb8;
	[tilespmem:$0x1F100] =	vst v63  }
0x9b: {  	s9 =	smov.u32 s2;
	s10 =	sadd.s32 $0x7, s10;
	_ =	swait.ge [sflag:s23], $0x4000  }
0x9c: {  	p3 =	slt.u32 s29, $0xC35;
	p0 =	por p6, p6;
	s2 =	rddreg [dreg:$0x6]  }
0x9d: {  	p2 =	sne.s32 s28, $0x188000;
	s29 =	sadd.s32 @p0 $0x2, s10;
	s2 =	simm.s32 @!p3 $0xFCF38000  }
0x9e: {  	s31 =	simm.s32 @!p0 $0x7100;
	s5 =	sadd.s32 $0x300, s30;
	s2 =	sadd.s32 s2, s26  }
.Ltmp0:
0x9f: {  	[sflag:s23] =	ssyncset.done $0x0;
	s2 =	sshrl.u32 s2, $0x3;
	(pc) =	sbr.rel @p2 .LBB2_2-.Ltmp0, $4  }
0xa0: {  	[sflag:s23] =	ssyncadd.s32 $0xFFFFC000;
	s30 =	sadd.s32 s3, s2;
	s2 =	simm.s32 @!p1 $0xF  }
0xa1: {  	[hbm4b:s30+s4] =	stream.linear.scatter [tilespmem:s14], [sflag:$0xC], $0x4000, $0x38;
	[tilespmem:$0x1F100] =	vst v63  }
0xa2: {  	s13 =	sadd.s32 @p0 s9, s11;
	s8 =	sadd.s32 $0x380, s8;
	_ =	swait.ge @!p1 [sflag:s2], $0x4000  }
0xa3: {  	s20 =	simm.s32 $0x1B100;
	p3 =	slt.u32 s0, $0xC35;
	[sflag:s2] =	ssyncset.done @!p1 $0x0  }
0xa4: {  	[sflag:s2] =	ssyncadd.s32 @!p1 $0xFFFFC000  }
0xa5: {  	[tilespmem:s20], [sflag:$0x8] =	stream.indirect.gather [hbm4b:s1+s15], $0x80, s5, s15, $0xb8;
	[tilespmem:$0x1F100] =	vst v63  }
0xa6: {  	_ =	swait.ge [sflag:s25], $0x4000  }
0xa7: {  	s0 =	rddreg [dreg:$0x7]  }
0xa8: {  	s2 =	sadd.s32 @p0 s10, s12;
	s0 =	simm.s32 @!p3 $0xFCF3C000  }
0xa9: {  	s18 =	simm.s32 $0x13100;
	s5 =	sadd.s32 @p0 $0xFFFFFFFE, s2;
	s0 =	sadd.s32 s0, s26  }
0xaa: {  	p1 =	slt.s32 @p0 s5, $0xC35;
	[sflag:s25] =	ssyncset.done $0x0;
	s0 =	sshrl.u32 s0, $0x3  }
0xab: {  	s5 =	simm.s32 @p0 $0x9;
	[sflag:s25] =	ssyncadd.s32 $0xFFFFC000;
	s0 =	sadd.s32 s3, s0  }
0xac: {  	[hbm4b:s0+s4] =	stream.linear.scatter [tilespmem:s18], [sflag:$0xD], $0x4000, $0x38;
	[tilespmem:$0x1F100] =	vst v63  }
0xad: {  	s7 =	simm.s32 @p0 $0x7;
	s14 =	simm.s32 @p0 $0x80;
	_ =	swait.ge @p0 [sflag:s5], $0x4000  }
0xae: {  	p1 =	por !p1, !p0;
	s0 =	simm.s32 @p0 $0xFFFF8000;
	[sflag:s5] =	ssyncset.done @p0 $0x0  }
0xaf: {  	s0 =	simm.s32 @p1 $0xFCF24000;
	[sflag:s5] =	ssyncadd.s32 @p0 $0xFFFFC000;
	s5 =	simm.s32 @p0 $0x3100  }
0xb0: {  	[tilespmem:s5], [sflag:$0x2] =	stream.indirect.gather @p0 [hbm4b:s1+s14], $0x80, s8, s14, $0xb8;
	[tilespmem:$0x1F100] =	vst v63  }
0xb1: {  	s0 =	sadd.s32 @p0 s0, s13;
	_ =	swait.ge @p0 [sflag:s7], $0x4000  }
0xb2: {  	s0 =	sshrl.u32 @p0 s0, $0x3;
	s5 =	simm.s32 @p0 $0x17100;
	[sflag:s7] =	ssyncset.done @p0 $0x0  }
0xb3: {  	s0 =	sadd.s32 @p0 s3, s0;
	[sflag:s7] =	ssyncadd.s32 @p0 $0xFFFFC000;
	s7 =	simm.s32 @p0 $0x0  }
0xb4: {  	[hbm4b:s0+s7] =	stream.linear.scatter @p0 [tilespmem:s5], [sflag:$0xE], $0x4000, $0x38;
	[tilespmem:$0x1F100] =	vst v63  }
0xb5: {  	s0 =	simm.s32 @p0 $0xA  }
0xb6: {  	_ =	swait.ge @p0 [sflag:s0], $0x4000  }
0xb7: {  	[sflag:s0] =	ssyncset.done @p0 $0x0  }
0xb8: {  	s5 =	simm.s32 @p0 $0x7100;
	[sflag:s0] =	ssyncadd.s32 @p0 $0xFFFFC000;
	s0 =	sadd.s32 @p0 $0x80, s8  }
0xb9: {  	[tilespmem:s5], [sflag:$0x3] =	stream.indirect.gather @p0 [hbm4b:s1+s14], $0x80, s0, s14, $0xb8;
	[tilespmem:$0x1F100] =	vst v63  }
0xba: {  	s0 =	sadd.s32 @p0 $0xFFFFFFFF, s2  }
0xbb: {  	p1 =	slt.s32 @p0 s0, $0xC35  }
0xbc: {  	s0 =	simm.s32 @p0 $0xFFFFC000;
	p1 =	por !p1, !p0  }
0xbd: {  	s2 =	simm.s32 @p0 $0x8;
	s0 =	simm.s32 @p1 $0xFCF28000  }
0xbe: {  	_ =	swait.ge @p0 [sflag:s2], $0x4000;
	s0 =	sadd.s32 @p0 s0, s13  }
0xbf: {  	[sflag:s2] =	ssyncset.done @p0 $0x0;
	s0 =	sshrl.u32 @p0 s0, $0x3  }
0xc0: {  	[sflag:s2] =	ssyncadd.s32 @p0 $0xFFFFC000;
	s2 =	simm.s32 @p0 $0x1B100;
	s0 =	sadd.s32 @p0 s3, s0  }
0xc1: {  	[hbm4b:s0+s7] =	stream.linear.scatter @p0 [tilespmem:s2], [sflag:$0xF], $0x4000, $0x38;
	[tilespmem:$0x1F100] =	vst v63  }
0xc2: {  	s0 =	simm.s32 @p0 $0xB  }
0xc3: {  	s29 =	simm.s32 @!p0 $0x2;
	_ =	swait.ge @p0 [sflag:s0], $0x4000  }
0xc4: {  	s28 =	sshll.u32 s29, $0x7;
	s5 =	simm.s32 @!p0 $0x80;
	[sflag:s0] =	ssyncset.done @p0 $0x0  }
0xc5: {  	s2 =	simm.s32 @!p0 $0x0;
	[sflag:s0] =	ssyncadd.s32 @p0 $0xFFFFC000;
	s0 =	simm.s32 @!p0 $0x3100  }
0xc6: {  	[tilespmem:s0], [sflag:$0x2] =	stream.indirect.gather @!p0 [hbm4b:s1+s5], $0x80, s2, s5, $0xb8;
	[tilespmem:$0x1F100] =	vst v63  }
0xc7: {  	s30 =	sand.u32 $0x3FFFFF80, s28;
	s0 =	sadd.s32 s9, s11;
	s2 =	sadd.s32 s10, s12  }
0xc8: {  	[tilespmem:s31], [sflag:$0x3] =	stream.indirect.gather @!p0 [hbm4b:s1+s5], $0x80, s5, s5, $0xb8;
	[tilespmem:$0x1F100] =	vst v63  }
0xc9: {  	p1 =	slt.u32 s2, $0xC35;
	s31 =	simm.s32 $0xB100;
	s5 =	sadd.s32 $0xFCF2C000, s0  }
0xca: {  	[tilespmem:s31], [sflag:$0x4] =	stream.indirect.gather [hbm4b:s1+s15], $0x80, s30, s15, $0xb8;
	[tilespmem:$0x1F100] =	vst v63  }
0xcb: {  	s5 =	smov.u32 @p1 s0;
	_ =	swait.ge [sflag:s17], $0x4000  }
0xcc: {  	p1 =	seq.s32 s9, $0x0;
	s5 =	sshrl.u32 s5, $0x3;
	[sflag:s17] =	ssyncset.done $0x0  }
0xcd: {  	s5 =	sadd.s32 s3, s5;
	s14 =	rddreg [dreg:$0x4];
	[sflag:s17] =	ssyncadd.s32 $0xFFFFC000  }
0xce: {  	[hbm4b:s5+s4] =	stream.linear.scatter [tilespmem:s14], [sflag:$0x9], $0x4000, $0x38;
	[tilespmem:$0x1F100] =	vst v63  }
0xcf: {  	s7 =	sadd.s32 @p0 $0x1, s10;
	s5 =	simm.s32 @!p1 $0xC  }
0xd0: {  	s7 =	simm.s32 @!p0 $0x1;
	_ =	swait.ge @!p1 [sflag:s5], $0x4000  }
0xd1: {  	s16 =	sadd.s32 $0x180, s8;
	s7 =	sadd.s32 s6, s7;
	[sflag:s5] =	ssyncset.done @!p1 $0x0  }
0xd2: {  	s22 =	simm.s32 $0xF100;
	[sflag:s5] =	ssyncadd.s32 @!p1 $0xFFFFC000;
	s5 =	sshll.u32 s7, $0xE  }
0xd3: {  	[tilespmem:s22], [sflag:$0x5] =	stream.indirect.gather [hbm4b:s1+s15], $0x80, s16, s15, $0xb8;
	[tilespmem:$0x1F100] =	vst v63  }
0xd4: {  	p0 =	slt.u32 s7, $0xC35;
	s7 =	sadd.s32 $0xFCF2C000, s5  }
0xd5: {  	_ =	swait.ge [sflag:s19], $0x4000;
	s7 =	smov.u32 @p0 s5  }
0xd6: {  	s5 =	simm.s32 @!p1 $0xD;
	s7 =	sshrl.u32 s7, $0x3;
	[sflag:s19] =	ssyncset.done $0x0  }
0xd7: {  	s24 =	rddreg [dreg:$0x5];
	[sflag:s19] =	ssyncadd.s32 $0xFFFFC000;
	s7 =	sadd.s32 s3, s7  }
0xd8: {  	[hbm4b:s7+s4] =	stream.linear.scatter [tilespmem:s24], [sflag:$0xA], $0x4000, $0x38;
	[tilespmem:$0x1F100] =	vst v63  }
0xd9: {  	_ =	swait.ge @!p1 [sflag:s5], $0x4000  }
0xda: {  	s26 =	sadd.s32 s6, s29;
	[sflag:s5] =	ssyncset.done @!p1 $0x0  }
0xdb: {  	s28 =	sadd.s32 $0x200, s8;
	[sflag:s5] =	ssyncadd.s32 @!p1 $0xFFFFC000;
	s5 =	sshll.u32 s26, $0xE  }
0xdc: {  	[tilespmem:s18], [sflag:$0x6] =	stream.indirect.gather [hbm4b:s1+s15], $0x80, s28, s15, $0xb8;
	[tilespmem:$0x1F100] =	vst v63  }
0xdd: {  	p0 =	slt.u32 s26, $0xC35;
	s7 =	sadd.s32 $0xFCF2C000, s5  }
0xde: {  	s7 =	smov.u32 @p0 s5;
	_ =	swait.ge [sflag:s21], $0x4000  }
0xdf: {  	s5 =	sshrl.u32 s7, $0x3;
	[sflag:s21] =	ssyncset.done $0x0  }
0xe0: {  	s7 =	simm.s32 @!p1 $0xE;
	s5 =	sadd.s32 s3, s5;
	[sflag:s21] =	ssyncadd.s32 $0xFFFFC000  }
0xe1: {  	[hbm4b:s5+s4] =	stream.linear.scatter [tilespmem:s31], [sflag:$0xB], $0x4000, $0x38;
	[tilespmem:$0x1F100] =	vst v63  }
0xe2: {  	_ =	swait.ge @!p1 [sflag:s7], $0x4000  }
0xe3: {  	[sflag:s7] =	ssyncset.done @!p1 $0x0  }
0xe4: {  	s29 =	sadd.s32 $0x280, s8;
	s30 =	simm.s32 $0x17100;
	[sflag:s7] =	ssyncadd.s32 @!p1 $0xFFFFC000  }
0xe5: {  	[tilespmem:s30], [sflag:$0x7] =	stream.indirect.gather [hbm4b:s1+s15], $0x80, s29, s15, $0xb8;
	[tilespmem:$0x1F100] =	vst v63  }
0xe6: {  	s31 =	sadd.s32 $0x3, s2;
	_ =	swait.ge [sflag:s23], $0x4000  }
0xe7: {  	p0 =	slt.u32 s31, $0xC35;
	s5 =	rddreg [dreg:$0x6]  }
0xe8: {  	s5 =	simm.s32 @!p0 $0xFCF38000  }
0xe9: {  	s5 =	sadd.s32 s5, s0  }
0xea: {  	[sflag:s23] =	ssyncset.done $0x0;
	s5 =	sshrl.u32 s5, $0x3  }
0xeb: {  	[sflag:s23] =	ssyncadd.s32 $0xFFFFC000;
	s5 =	sadd.s32 s3, s5  }
0xec: {  	[hbm4b:s5+s4] =	stream.linear.scatter [tilespmem:s22], [sflag:$0xC], $0x4000, $0x38;
	[tilespmem:$0x1F100] =	vst v63  }
0xed: {  	s5 =	simm.s32 @!p1 $0xF  }
0xee: {  	_ =	swait.ge @!p1 [sflag:s5], $0x4000  }
0xef: {  	[sflag:s5] =	ssyncset.done @!p1 $0x0  }
0xf0: {  	s7 =	sadd.s32 $0x300, s8;
	[sflag:s5] =	ssyncadd.s32 @!p1 $0xFFFFC000  }
0xf1: {  	[tilespmem:s20], [sflag:$0x8] =	stream.indirect.gather [hbm4b:s1+s15], $0x80, s7, s15, $0xb8;
	[tilespmem:$0x1F100] =	vst v63  }
0xf2: {  	s2 =	sadd.s32 $0x4, s2;
	_ =	swait.ge [sflag:s25], $0x4000  }
0xf3: {  	p0 =	slt.u32 s2, $0xC35;
	s5 =	rddreg [dreg:$0x7]  }
0xf4: {  	s5 =	simm.s32 @!p0 $0xFCF3C000  }
0xf5: {  	s0 =	sadd.s32 s5, s0  }
0xf6: {  	[sflag:s25] =	ssyncset.done $0x0;
	s0 =	sshrl.u32 s0, $0x3  }
0xf7: {  	s8 =	simm.s32 $0x7;
	[sflag:s25] =	ssyncadd.s32 $0xFFFFC000;
	s0 =	sadd.s32 s3, s0  }
0xf8: {  	[hbm4b:s0+s4] =	stream.linear.scatter [tilespmem:s18], [sflag:$0xD], $0x4000, $0x38;
	[tilespmem:$0x1F100] =	vst v63  }
0xf9: {  	_ =	swait.ge [sflag:s8], $0x4000  }
0xfa: {  	[sflag:s8] =	ssyncset.done $0x0  }
0xfb: {  	s10 =	simm.s32 $0x8;
	s9 =	rddreg [dreg:$0xa];
	[sflag:s8] =	ssyncadd.s32 $0xFFFFC000  }
0xfc: {  	[hbm4b:s9+s4] =	stream.linear.scatter [tilespmem:s30], [sflag:$0xE], $0x4000, $0x38;
	[tilespmem:$0x1F100] =	vst v63  }
0xfd: {  	_ =	swait.ge [sflag:s10], $0x4000  }
0xfe: {  	[sflag:s10] =	ssyncset.done $0x0  }
0xff: {  	s14 =	simm.s32 $0x9;
	s13 =	rddreg [dreg:$0xb];
	[sflag:s10] =	ssyncadd.s32 $0xFFFFC000  }
0x100: {  	[hbm4b:s13+s4] =	stream.linear.scatter [tilespmem:s20], [sflag:$0xF], $0x4000, $0x38;
	[tilespmem:$0x1F100] =	vst v63  }
0x101: {  	_ =	swait.ge [sflag:s14], $0x4000  }
0x102: {  	[sflag:s14] =	ssyncset.done $0x0  }
0x103: {  	s18 =	simm.s32 $0xA;
	[sflag:s14] =	ssyncadd.s32 $0xFFFFC000  }
0x104: {  	_ =	swait.ge [sflag:s18], $0x4000  }
0x105: {  	[sflag:s18] =	ssyncset.done $0x0  }
0x106: {  	s22 =	simm.s32 $0xB;
	[sflag:s18] =	ssyncadd.s32 $0xFFFFC000  }
0x107: {  	_ =	swait.ge [sflag:s22], $0x4000  }
0x108: {  	[sflag:s22] =	ssyncset.done $0x0  }
0x109: {  	s24 =	simm.s32 $0xC;
	[sflag:s22] =	ssyncadd.s32 $0xFFFFC000  }
0x10a: {  	_ =	swait.ge [sflag:s24], $0x4000  }
0x10b: {  	[sflag:s24] =	ssyncset.done $0x0  }
0x10c: {  	s26 =	simm.s32 $0xD;
	[sflag:s24] =	ssyncadd.s32 $0xFFFFC000  }
0x10d: {  	_ =	swait.ge [sflag:s26], $0x4000  }
0x10e: {  	[sflag:s26] =	ssyncset.done $0x0  }
0x10f: {  	s28 =	simm.s32 $0xE;
	[sflag:s26] =	ssyncadd.s32 $0xFFFFC000  }
0x110: {  	_ =	swait.ge [sflag:s28], $0x4000  }
0x111: {  	[sflag:s28] =	ssyncset.done $0x0  }
0x112: {  	s29 =	simm.s32 $0xF;
	[sflag:s28] =	ssyncadd.s32 $0xFFFFC000  }
0x113: {  	_ =	swait.ge [sflag:s29], $0x4000  }
0x114: {  	s30 =	rddreg [dreg:$0xd]  }
0x115: {  	s31 =	rddreg [dreg:$0xc];
	s5 =	sadd.s32 $0x1, s30  }
0x116: {  	p0 =	sne.s32 s5, s31  }
.Ltmp1:
0x117: {  	_ = 	snop;
	(pc) =	sbr.rel @p0 .LBB2_1-.Ltmp1, $3  }
0x118: {  	_ =	sdelay $0x1  }
0x119: {  	[sflag:s29] =	ssyncset.done $0x0  }
0x11a: {  	s16 =	simm.s32 $0x13100;
	[sflag:s29] =	ssyncadd.s32 $0xFFFFC000  }
0x11b: {  	_ =	sfence.sel $0x180000  }
0x11c: {  	[bflag:$0x0] =	sbarrier.arrive $0xFFFF  }
0x11d: {  	_ =	strace $0x90000047  }
0x11e: {  	s0 =	stileid.u32;
	[bflag:$0x2] =	sbarrier.arrive $0xFFFF  }
0x11f: {  	p0 =	sne.s32 s0, $0x0;
	s0 =	rddreg [dreg:$0x3]  }
0x120: {  	s0 =	sadd.s32 @!p0 $0x100000, s0  }
0x121: {  	[sflag:s0] =	ssyncadd.tile.s32 @!p0 $0x1;
	_ =	shalt  }
.Lfunc_end2:
_tile_overlayer_lowered:
.L_overlay_start_2:
0x122: {  	(tag) =	ssettag $0x2  }
0x123: {  	s0 =	rddreg [dreg:$0x0];
	s2 =	stileid.u32  }
0x124: {  	s1 =	rddreg [dreg:$0x1];
	p0 =	sne.s32 s2, $0x0  }
0x125: {  	s3 =	rddreg [dreg:$0x2];
	[bflag:$0x3] =	sbarrier.arrive $0xFFFF;
	s2 =	simm.s32 @!p0 $0x1C10  }
0x126: {  	[timem:s3], [sflag:s2] =	dma.local @!p0 [hbm:s0], s1  }
0x127: {  	s0 =	simm.s32 @!p0 $0x10  }
0x128: {  	_ =	swait.ge @!p0 [sflag:s0], s1  }
0x129: {  	s1 =	ssub.s32 @!p0 $0x0, s1;
	[sflag:s0] =	ssyncset.done @!p0 $0x0  }
0x12a: {  	[sflag:s0] =	ssyncadd.s32 @!p0 s1  }
0x12b: {  	[bflag:$0x3] =	sbarrier.arrive $0xFFFF  }
0x12c: {  	_ =	shalt  }

</sc_bundles>
